<compile_context>
chip_gen: v7x
topology: tpu7x:2x2x1
jax: 0.10.2.dev20260603
libtpu: 0.0.44.dev20260713+nightly
codegen_flags: <defaults>
</compile_context>

<pallas_src>
import dataclasses
import functools

import jax
import jax.numpy as jnp
from jax import lax
from jax.experimental import pallas as pl
from jax.experimental.pallas import tpu as pltpu
from jax.experimental.pallas import tpu_sc as plsc

B = 16384
II = 256
IC = 128
DI = 128
NC = 2
NS = 16
NW = NC * NS
BPW = B // NW
CH = 128
NCH = BPW // CH
L = 16
BLK = 2048
CONCAT = 648


def _dense_body(wt_ref, uvw_ref, wi_ref, if_ref, cf_ref, out_ref):
    w_full = jnp.dot(wt_ref[...], uvw_ref[...],
                     preferred_element_type=jnp.float32)
    v_item = jnp.dot(wi_ref[...], w_full[384:512, :],
                     preferred_element_type=jnp.float32)
    s = jnp.dot(if_ref[...], v_item, preferred_element_type=jnp.float32)
    s = s + jnp.dot(cf_ref[...], w_full[512:640, :],
                    preferred_element_type=jnp.float32)
    out_ref[...] = s


_dense = pl.pallas_call(
    _dense_body,
    grid=(B // BLK,),
    in_specs=[
        pl.BlockSpec((CONCAT, 5), lambda i: (0, 0)),
        pl.BlockSpec((5, 1), lambda i: (0, 0)),
        pl.BlockSpec((II, DI), lambda i: (0, 0)),
        pl.BlockSpec((BLK, II), lambda i: (i, 0)),
        pl.BlockSpec((BLK, IC), lambda i: (i, 0)),
    ],
    out_specs=pl.BlockSpec((BLK, 1), lambda i: (i, 0)),
    out_shape=jax.ShapeDtypeStruct((B, 1), jnp.float32),
)


def _emb_body(ids_hbm, emb_hbm, wt_hbm, uvw_hbm,
              out_hbm,
              wt_v, uvw_v, idx_v, emb_v0, emb_v1, sco_v, gsem0, gsem1):
    c = lax.axis_index("c")
    s = lax.axis_index("s")
    wid = s * NC + c
    base = wid * BPW

    pltpu.sync_copy(ids_hbm.at[pl.ds(wid * NCH, NCH)], idx_v)
    emb_bufs = (emb_v0, emb_v1)
    gsems = (gsem0, gsem1)
    gcp = pltpu.async_copy(emb_hbm.at[idx_v.at[0]], emb_v0, gsem0)

    pltpu.sync_copy(wt_hbm, wt_v)
    pltpu.sync_copy(uvw_hbm, uvw_v)

    wregs = []
    for j in range(8):
        acc = None
        for t in range(5):
            u_t = plsc.load_gather(uvw_v, [jnp.full((L,), t, jnp.int32)])
            term = wt_v[t, pl.ds(256 + L * j, L)] * u_t
            acc = term if acc is None else acc + term
        wregs.append(acc)

    lane0 = lax.iota(jnp.int32, L) == 0

    for ch in range(NCH):
        gcp.wait()
        emb_v = emb_bufs[ch % 2]
        if ch + 1 < NCH:
            gcp = pltpu.async_copy(
                emb_hbm.at[idx_v.at[ch + 1]], emb_bufs[(ch + 1) % 2],
                gsems[(ch + 1) % 2])

        @plsc.parallel_loop(0, CH, 1, unroll=2)
        def _(i, _ch=ch, _emb=emb_v):
            prods = [_emb[i, pl.ds(L * j, L)] * wregs[j] for j in range(8)]
            while len(prods) > 1:
                prods = [prods[k] + prods[k + 1]
                         for k in range(0, len(prods), 2)]
            sc = jnp.sum(prods[0])
            plsc.store_scatter(sco_v, [jnp.full((L,), _ch * CH + i,
                                                 jnp.int32)],
                               jnp.full((L,), sc, jnp.float32), mask=lane0)

    pltpu.sync_copy(sco_v, out_hbm.at[pl.ds(base, BPW)])


_sc_params = pltpu.CompilerParams()
if "needs_layout_passes" in pltpu.CompilerParams.__dataclass_fields__:
    _sc_params = dataclasses.replace(_sc_params, needs_layout_passes=False)

_emb_score = functools.partial(
    pl.kernel,
    out_type=jax.ShapeDtypeStruct((B,), jnp.float32),
    mesh=plsc.VectorSubcoreMesh(core_axis_name="c", subcore_axis_name="s"),
    compiler_params=_sc_params,
    scratch_types=[
        pltpu.VMEM((5, CONCAT), jnp.float32),
        pltpu.VMEM((L,), jnp.float32),
        pltpu.VMEM((NCH, CH), jnp.int32),
        pltpu.VMEM((CH, DI), jnp.float32),
        pltpu.VMEM((CH, DI), jnp.float32),
        pltpu.VMEM((BPW,), jnp.float32),
        pltpu.SemaphoreType.DMA,
        pltpu.SemaphoreType.DMA,
    ],
)(_emb_body)


def _final_body(sd_ref, se_ref, ids_ref, out_ref):
    sc = sd_ref[...] + se_ref[...]
    m = jnp.max(sc)
    lin = (lax.broadcasted_iota(jnp.int32, sc.shape, 0) * sc.shape[1]
           + lax.broadcasted_iota(jnp.int32, sc.shape, 1))
    sel = jnp.where(sc >= m, lin, jnp.int32(2 ** 30))
    r = jnp.min(sel)
    win = jnp.max(jnp.where(lin == r, ids_ref[...], jnp.int32(-2 ** 31)))
    out_ref[...] = jnp.full((1, 1), win, jnp.int32)


_final = pl.pallas_call(
    _final_body,
    out_shape=jax.ShapeDtypeStruct((1, 1), jnp.int32),
)


def kernel(user_id, user_features, item_ids, item_features, cross_features,
           user_emb_table, item_emb_table, pos_emb_table,
           W_user, b_user, W_item, b_item, W_task, b_task,
           user_value_weights):
    ids32 = item_ids.astype(jnp.int32)
    uvw16 = jnp.pad(user_value_weights, (0, 11))
    s_dense = _dense(W_task, user_value_weights.reshape(-1, 1), W_item,
                     item_features, cross_features)
    s_emb = _emb_score(ids32.reshape(B // CH, CH), item_emb_table,
                       W_task.T, uvw16)
    out = _final(s_dense.reshape(128, 128), s_emb.reshape(128, 128),
                 ids32.reshape(128, 128))
    return out.reshape(()).astype(item_ids.dtype)

# --- scband reference (transcript-rebuilt; emitter-appended) ---
"""Pipeline reference for scband-top-item-selector-65695819759662 (READ-ONLY COPY).

The authoritative reference and input builder live on the scoring server;
editing this copy changes nothing except your own understanding.
"""

import jax, jax.numpy as jnp
import numpy as np

B = 16384
IU = 256
II = 256
IC = 128
T = 5
UID_HASH = 100000
IID_HASH = 100000
DU = 128
DI = 128
DP = 8
NUM_POS = 256


def setup_inputs(seed: int = 0) -> dict:
    key = jax.random.key(seed)
    ks = jax.random.split(key, 16)
    user_id = 12345
    user_features = jax.random.normal(ks[0], (IU,), dtype=jnp.float32)
    item_ids = jax.random.randint(ks[1], (B,), 0, IID_HASH, dtype=jnp.int64)
    item_features = jax.random.normal(ks[2], (B, II), dtype=jnp.float32)
    cross_features = jax.random.normal(ks[3], (B, IC), dtype=jnp.float32)
    # learned parameters of the MultiTaskEstimator
    user_emb_table = jax.random.normal(ks[4], (UID_HASH, DU), dtype=jnp.float32) * 0.02
    item_emb_table = jax.random.normal(ks[5], (IID_HASH, DI), dtype=jnp.float32) * 0.02
    pos_emb_table = jax.random.normal(ks[6], (NUM_POS, DP), dtype=jnp.float32) * 0.02
    W_user = jax.random.normal(ks[7], (IU, DU), dtype=jnp.float32) * (1.0 / np.sqrt(IU))
    b_user = jnp.zeros((DU,), dtype=jnp.float32)
    W_item = jax.random.normal(ks[8], (II, DI), dtype=jnp.float32) * (1.0 / np.sqrt(II))
    b_item = jnp.zeros((DI,), dtype=jnp.float32)
    concat_dim = DU + DU + DI + DI + IC + DP
    W_task = jax.random.normal(ks[9], (concat_dim, T), dtype=jnp.float32) * (1.0 / np.sqrt(concat_dim))
    b_task = jnp.zeros((T,), dtype=jnp.float32)
    user_value_weights = jnp.array([0.5, 1.0, 0.8, 0.3, 1.5], dtype=jnp.float32)
    return {
        "user_id": user_id,
        "user_features": user_features,
        "item_ids": item_ids,
        "item_features": item_features,
        "cross_features": cross_features,
        "user_emb_table": user_emb_table,
        "item_emb_table": item_emb_table,
        "pos_emb_table": pos_emb_table,
        "W_user": W_user,
        "b_user": b_user,
        "W_item": W_item,
        "b_item": b_item,
        "W_task": W_task,
        "b_task": b_task,
        "user_value_weights": user_value_weights,
    }


def reference(user_id, user_features, item_ids, item_features, cross_features,
              user_emb_table, item_emb_table, pos_emb_table,
              W_user, b_user, W_item, b_item, W_task, b_task,
              user_value_weights):
    b = item_ids.shape[0]
    # replicate user across the candidate batch (torch.tensor([user_id]*B), torch.stack([user_features]*B))
    uid = jnp.full((b,), user_id, dtype=jnp.int32)
    uf = jnp.broadcast_to(user_features, (b, user_features.shape[0]))
    position = jnp.zeros((b,), dtype=jnp.int32)
    # MultiTaskEstimator forward
    u_id_e = jnp.take(user_emb_table, uid, axis=0)
    i_id_e = jnp.take(item_emb_table, item_ids, axis=0)
    p_e = jnp.take(pos_emb_table, position, axis=0)
    u_f = uf @ W_user + b_user
    i_f = item_features @ W_item + b_item
    combined_in = jnp.concatenate([u_id_e, u_f, i_id_e, i_f, cross_features, p_e], axis=1)
    estimates = combined_in @ W_task + b_task  # [B, T]
    # weighted sum of task estimates, then select top item
    combined_score = estimates @ user_value_weights  # [B]
    top_item_index = jnp.argmax(combined_score)
    top_item_id = item_ids[top_item_index]
    return top_item_id


if False:  # reference __main__ guard neutralized (emitter)
    out = reference(**setup_inputs())
    print(out)

if __name__ == "__main__":
    import jax
    _d = setup_inputs()
    print(jax.jit(kernel)(*tuple(_d.values())))

</pallas_src>

<mosaic_0001>
#map = affine_map<(d0, d1) -> (0, 0)>
#map1 = affine_map<(d0, d1) -> (0)>
module attributes {stable_mosaic.version = 14 : i64} {
  func.func @_emb_body(%arg0: i32, %arg1: i32, %arg2: memref<128x128xi32, #tpu.memory_space<hbm>>, %arg3: memref<100000x128xf32, #tpu.memory_space<hbm>>, %arg4: memref<5x648xf32, #tpu.memory_space<hbm>>, %arg5: memref<16xf32, #tpu.memory_space<hbm>>, %arg6: memref<16384xf32, #tpu.memory_space<hbm>>, %arg7: memref<5x648xf32, #tpu.memory_space<vmem>>, %arg8: memref<16xf32, #tpu.memory_space<vmem>>, %arg9: memref<4x128xi32, #tpu.memory_space<vmem>>, %arg10: memref<128x128xf32, #tpu.memory_space<vmem>>, %arg11: memref<128x128xf32, #tpu.memory_space<vmem>>, %arg12: memref<512xf32, #tpu.memory_space<vmem>>, %arg13: memref<!tpu.dma_semaphore, #tpu.memory_space<semaphore_mem>>, %arg14: memref<!tpu.dma_semaphore, #tpu.memory_space<semaphore_mem>>) attributes {dimension_semantics = [#tpu.dimension_semantics<core_parallel>, #tpu.dimension_semantics<subcore_parallel>], iteration_bounds = array<i64: 2, 16>, scalar_prefetch = 0 : i64, scratch_operands = 8 : i64, tpu.core_type = #tpu.core_type<sc_vector_subcore>, window_params = [{transform_indices = #map}, {transform_indices = #map}, {transform_indices = #map}, {transform_indices = #map1}, {transform_indices = #map1}]} {
    %mul3A = arith.constant 2 : i32
    %mul3A_0 = arith.muli %arg1, %mul3A : i32
    %add3A = arith.addi %mul3A_0, %arg0 : i32
    %mul3A_1 = arith.constant 512 : i32
    %mul3A_2 = arith.muli %add3A, %mul3A_1 : i32
    %mul3A_3 = arith.constant 4 : i32
    %mul3A_4 = arith.muli %add3A, %mul3A_3 : i32
    "tpu.region"() ({
      %run_scoped3A = tpu.sem_alloc : memref<!tpu.dma_semaphore, #tpu.memory_space<semaphore_mem>>
      %dma_start3A_421 = arith.constant 0 : i32
      %dma_start3A_422 = tpu.memref_slice %arg2[%mul3A_4, %dma_start3A_421] : memref<128x128xi32, #tpu.memory_space<hbm>> -> memref<4x128xi32, #tpu.memory_space<hbm>>
      %dma_start3A_423 = arith.constant 0 : i32
      %dma_start3A_424 = tpu.memref_slice %arg2[%mul3A_4, %dma_start3A_423] : memref<128x128xi32, #tpu.memory_space<hbm>> -> memref<4x128xi32, #tpu.memory_space<hbm>>
      tpu.enqueue_dma source(%dma_start3A_424 : memref<4x128xi32, #tpu.memory_space<hbm>>) target(%arg9 : memref<4x128xi32, #tpu.memory_space<vmem>>) target_semaphore(%run_scoped3A : memref<!tpu.dma_semaphore, #tpu.memory_space<semaphore_mem>>)
      %dma_wait3A_425 = arith.constant 0 : i32
      %dma_wait3A_426 = tpu.memref_slice %arg2[%mul3A_4, %dma_wait3A_425] : memref<128x128xi32, #tpu.memory_space<hbm>> -> memref<4x128xi32, #tpu.memory_space<hbm>>
      %dma_wait3A_427 = arith.constant 0 : i32
      %dma_wait3A_428 = tpu.memref_slice %arg2[%mul3A_4, %dma_wait3A_427] : memref<128x128xi32, #tpu.memory_space<hbm>> -> memref<4x128xi32, #tpu.memory_space<hbm>>
      tpu.wait_dma2 semaphore(%run_scoped3A : memref<!tpu.dma_semaphore, #tpu.memory_space<semaphore_mem>>) src(%dma_wait3A_428 : memref<4x128xi32, #tpu.memory_space<hbm>>) dst(%arg9 : memref<4x128xi32, #tpu.memory_space<vmem>>)
      tpu.yield
    }) : () -> ()
    %dma_start3A = arith.constant 0 : i32
    %dma_start3A_5 = arith.constant 0 : i32
    %dma_start3A_6 = tpu.memref_slice %arg9[%dma_start3A, %dma_start3A_5] : memref<4x128xi32, #tpu.memory_space<vmem>> -> memref<1x128xi32, #tpu.memory_space<vmem>>
    %dma_start3A_7 = tpu.memref_squeeze %dma_start3A_6 : memref<1x128xi32, #tpu.memory_space<vmem>> -> memref<128xi32, #tpu.memory_space<vmem>>
    %dma_start3A_8 = arith.constant 0 : i32
    %dma_start3A_9 = arith.constant 0 : i32
    %dma_start3A_10 = tpu.memref_slice %arg3[%dma_start3A_8, %dma_start3A_9] : memref<100000x128xf32, #tpu.memory_space<hbm>> -> memref<100000x128xf32, #tpu.memory_space<hbm>>
    tpu.enqueue_indirect_dma source(%dma_start3A_10 : memref<100000x128xf32, #tpu.memory_space<hbm>>) target(%arg10 : memref<128x128xf32, #tpu.memory_space<vmem>>) offsets(%dma_start3A_7 : memref<128xi32, #tpu.memory_space<vmem>>) semaphore(%arg13 : memref<!tpu.dma_semaphore, #tpu.memory_space<semaphore_mem>>)
    "tpu.region"() ({
      %run_scoped3A = tpu.sem_alloc : memref<!tpu.dma_semaphore, #tpu.memory_space<semaphore_mem>>
      tpu.enqueue_dma source(%arg4 : memref<5x648xf32, #tpu.memory_space<hbm>>) target(%arg7 : memref<5x648xf32, #tpu.memory_space<vmem>>) target_semaphore(%run_scoped3A : memref<!tpu.dma_semaphore, #tpu.memory_space<semaphore_mem>>)
      tpu.wait_dma2 semaphore(%run_scoped3A : memref<!tpu.dma_semaphore, #tpu.memory_space<semaphore_mem>>) src(%arg4 : memref<5x648xf32, #tpu.memory_space<hbm>>) dst(%arg7 : memref<5x648xf32, #tpu.memory_space<vmem>>)
      tpu.yield
    }) : () -> ()
    "tpu.region"() ({
      %run_scoped3A = tpu.sem_alloc : memref<!tpu.dma_semaphore, #tpu.memory_space<semaphore_mem>>
      tpu.enqueue_dma source(%arg5 : memref<16xf32, #tpu.memory_space<hbm>>) target(%arg8 : memref<16xf32, #tpu.memory_space<vmem>>) target_semaphore(%run_scoped3A : memref<!tpu.dma_semaphore, #tpu.memory_space<semaphore_mem>>)
      tpu.wait_dma2 semaphore(%run_scoped3A : memref<!tpu.dma_semaphore, #tpu.memory_space<semaphore_mem>>) src(%arg5 : memref<16xf32, #tpu.memory_space<hbm>>) dst(%arg8 : memref<16xf32, #tpu.memory_space<vmem>>)
      tpu.yield
    }) : () -> ()
    %broadcast_in_dim3A = arith.constant 0 : i32
    %broadcast_in_dim3A_11 = vector.broadcast %broadcast_in_dim3A : i32 to vector<16xi32>
    %gather3A = tpu.vector_load_idx %arg8[%broadcast_in_dim3A_11] : memref<16xf32, #tpu.memory_space<vmem>>[vector<16xi32>], vector<16xf32>,
    %get3A = arith.constant 0 : i32
    %get3A_12 = arith.index_cast %get3A : i32 to index
    %get3A_13 = arith.constant 256 : index
    %get3A_14 = tpu.vector_load %arg7[%get3A_12, %get3A_13] {strides = array<i32>} : memref<5x648xf32, #tpu.memory_space<vmem>>, vector<16xf32>,
    %mul3A_15 = arith.mulf %get3A_14, %gather3A : vector<16xf32>
    %broadcast_in_dim3A_16 = arith.constant 1 : i32
    %broadcast_in_dim3A_17 = vector.broadcast %broadcast_in_dim3A_16 : i32 to vector<16xi32>
    %gather3A_18 = tpu.vector_load_idx %arg8[%broadcast_in_dim3A_17] : memref<16xf32, #tpu.memory_space<vmem>>[vector<16xi32>], vector<16xf32>,
    %get3A_19 = arith.constant 1 : i32
    %get3A_20 = arith.index_cast %get3A_19 : i32 to index
    %get3A_21 = arith.constant 256 : index
    %get3A_22 = tpu.vector_load %arg7[%get3A_20, %get3A_21] {strides = array<i32>} : memref<5x648xf32, #tpu.memory_space<vmem>>, vector<16xf32>,
    %mul3A_23 = arith.mulf %get3A_22, %gather3A_18 : vector<16xf32>
    %add3A_24 = arith.addf %mul3A_15, %mul3A_23 : vector<16xf32>
    %broadcast_in_dim3A_25 = arith.constant 2 : i32
    %broadcast_in_dim3A_26 = vector.broadcast %broadcast_in_dim3A_25 : i32 to vector<16xi32>
    %gather3A_27 = tpu.vector_load_idx %arg8[%broadcast_in_dim3A_26] : memref<16xf32, #tpu.memory_space<vmem>>[vector<16xi32>], vector<16xf32>,
    %get3A_28 = arith.constant 2 : i32
    %get3A_29 = arith.index_cast %get3A_28 : i32 to index
    %get3A_30 = arith.constant 256 : index
    %get3A_31 = tpu.vector_load %arg7[%get3A_29, %get3A_30] {strides = array<i32>} : memref<5x648xf32, #tpu.memory_space<vmem>>, vector<16xf32>,
    %mul3A_32 = arith.mulf %get3A_31, %gather3A_27 : vector<16xf32>
    %add3A_33 = arith.addf %add3A_24, %mul3A_32 : vector<16xf32>
    %broadcast_in_dim3A_34 = arith.constant 3 : i32
    %broadcast_in_dim3A_35 = vector.broadcast %broadcast_in_dim3A_34 : i32 to vector<16xi32>
    %gather3A_36 = tpu.vector_load_idx %arg8[%broadcast_in_dim3A_35] : memref<16xf32, #tpu.memory_space<vmem>>[vector<16xi32>], vector<16xf32>,
    %get3A_37 = arith.constant 3 : i32
    %get3A_38 = arith.index_cast %get3A_37 : i32 to index
    %get3A_39 = arith.constant 256 : index
    %get3A_40 = tpu.vector_load %arg7[%get3A_38, %get3A_39] {strides = array<i32>} : memref<5x648xf32, #tpu.memory_space<vmem>>, vector<16xf32>,
    %mul3A_41 = arith.mulf %get3A_40, %gather3A_36 : vector<16xf32>
    %add3A_42 = arith.addf %add3A_33, %mul3A_41 : vector<16xf32>
    %broadcast_in_dim3A_43 = arith.constant 4 : i32
    %broadcast_in_dim3A_44 = vector.broadcast %broadcast_in_dim3A_43 : i32 to vector<16xi32>
    %gather3A_45 = tpu.vector_load_idx %arg8[%broadcast_in_dim3A_44] : memref<16xf32, #tpu.memory_space<vmem>>[vector<16xi32>], vector<16xf32>,
    %get3A_46 = arith.constant 4 : i32
    %get3A_47 = arith.index_cast %get3A_46 : i32 to index
    %get3A_48 = arith.constant 256 : index
    %get3A_49 = tpu.vector_load %arg7[%get3A_47, %get3A_48] {strides = array<i32>} : memref<5x648xf32, #tpu.memory_space<vmem>>, vector<16xf32>,
    %mul3A_50 = arith.mulf %get3A_49, %gather3A_45 : vector<16xf32>
    %add3A_51 = arith.addf %add3A_42, %mul3A_50 : vector<16xf32>
    %broadcast_in_dim3A_52 = arith.constant 0 : i32
    %broadcast_in_dim3A_53 = vector.broadcast %broadcast_in_dim3A_52 : i32 to vector<16xi32>
    %gather3A_54 = tpu.vector_load_idx %arg8[%broadcast_in_dim3A_53] : memref<16xf32, #tpu.memory_space<vmem>>[vector<16xi32>], vector<16xf32>,
    %get3A_55 = arith.constant 0 : i32
    %get3A_56 = arith.index_cast %get3A_55 : i32 to index
    %get3A_57 = arith.constant 272 : index
    %get3A_58 = tpu.vector_load %arg7[%get3A_56, %get3A_57] {strides = array<i32>} : memref<5x648xf32, #tpu.memory_space<vmem>>, vector<16xf32>,
    %mul3A_59 = arith.mulf %get3A_58, %gather3A_54 : vector<16xf32>
    %broadcast_in_dim3A_60 = arith.constant 1 : i32
    %broadcast_in_dim3A_61 = vector.broadcast %broadcast_in_dim3A_60 : i32 to vector<16xi32>
    %gather3A_62 = tpu.vector_load_idx %arg8[%broadcast_in_dim3A_61] : memref<16xf32, #tpu.memory_space<vmem>>[vector<16xi32>], vector<16xf32>,
    %get3A_63 = arith.constant 1 : i32
    %get3A_64 = arith.index_cast %get3A_63 : i32 to index
    %get3A_65 = arith.constant 272 : index
    %get3A_66 = tpu.vector_load %arg7[%get3A_64, %get3A_65] {strides = array<i32>} : memref<5x648xf32, #tpu.memory_space<vmem>>, vector<16xf32>,
    %mul3A_67 = arith.mulf %get3A_66, %gather3A_62 : vector<16xf32>
    %add3A_68 = arith.addf %mul3A_59, %mul3A_67 : vector<16xf32>
    %broadcast_in_dim3A_69 = arith.constant 2 : i32
    %broadcast_in_dim3A_70 = vector.broadcast %broadcast_in_dim3A_69 : i32 to vector<16xi32>
    %gather3A_71 = tpu.vector_load_idx %arg8[%broadcast_in_dim3A_70] : memref<16xf32, #tpu.memory_space<vmem>>[vector<16xi32>], vector<16xf32>,
    %get3A_72 = arith.constant 2 : i32
    %get3A_73 = arith.index_cast %get3A_72 : i32 to index
    %get3A_74 = arith.constant 272 : index
    %get3A_75 = tpu.vector_load %arg7[%get3A_73, %get3A_74] {strides = array<i32>} : memref<5x648xf32, #tpu.memory_space<vmem>>, vector<16xf32>,
    %mul3A_76 = arith.mulf %get3A_75, %gather3A_71 : vector<16xf32>
    %add3A_77 = arith.addf %add3A_68, %mul3A_76 : vector<16xf32>
    %broadcast_in_dim3A_78 = arith.constant 3 : i32
    %broadcast_in_dim3A_79 = vector.broadcast %broadcast_in_dim3A_78 : i32 to vector<16xi32>
    %gather3A_80 = tpu.vector_load_idx %arg8[%broadcast_in_dim3A_79] : memref<16xf32, #tpu.memory_space<vmem>>[vector<16xi32>], vector<16xf32>,
    %get3A_81 = arith.constant 3 : i32
    %get3A_82 = arith.index_cast %get3A_81 : i32 to index
    %get3A_83 = arith.constant 272 : index
    %get3A_84 = tpu.vector_load %arg7[%get3A_82, %get3A_83] {strides = array<i32>} : memref<5x648xf32, #tpu.memory_space<vmem>>, vector<16xf32>,
    %mul3A_85 = arith.mulf %get3A_84, %gather3A_80 : vector<16xf32>
    %add3A_86 = arith.addf %add3A_77, %mul3A_85 : vector<16xf32>
    %broadcast_in_dim3A_87 = arith.constant 4 : i32
    %broadcast_in_dim3A_88 = vector.broadcast %broadcast_in_dim3A_87 : i32 to vector<16xi32>
    %gather3A_89 = tpu.vector_load_idx %arg8[%broadcast_in_dim3A_88] : memref<16xf32, #tpu.memory_space<vmem>>[vector<16xi32>], vector<16xf32>,
    %get3A_90 = arith.constant 4 : i32
    %get3A_91 = arith.index_cast %get3A_90 : i32 to index
    %get3A_92 = arith.constant 272 : index
    %get3A_93 = tpu.vector_load %arg7[%get3A_91, %get3A_92] {strides = array<i32>} : memref<5x648xf32, #tpu.memory_space<vmem>>, vector<16xf32>,
    %mul3A_94 = arith.mulf %get3A_93, %gather3A_89 : vector<16xf32>
    %add3A_95 = arith.addf %add3A_86, %mul3A_94 : vector<16xf32>
    %broadcast_in_dim3A_96 = arith.constant 0 : i32
    %broadcast_in_dim3A_97 = vector.broadcast %broadcast_in_dim3A_96 : i32 to vector<16xi32>
    %gather3A_98 = tpu.vector_load_idx %arg8[%broadcast_in_dim3A_97] : memref<16xf32, #tpu.memory_space<vmem>>[vector<16xi32>], vector<16xf32>,
    %get3A_99 = arith.constant 0 : i32
    %get3A_100 = arith.index_cast %get3A_99 : i32 to index
    %get3A_101 = arith.constant 288 : index
    %get3A_102 = tpu.vector_load %arg7[%get3A_100, %get3A_101] {strides = array<i32>} : memref<5x648xf32, #tpu.memory_space<vmem>>, vector<16xf32>,
    %mul3A_103 = arith.mulf %get3A_102, %gather3A_98 : vector<16xf32>
    %broadcast_in_dim3A_104 = arith.constant 1 : i32
    %broadcast_in_dim3A_105 = vector.broadcast %broadcast_in_dim3A_104 : i32 to vector<16xi32>
    %gather3A_106 = tpu.vector_load_idx %arg8[%broadcast_in_dim3A_105] : memref<16xf32, #tpu.memory_space<vmem>>[vector<16xi32>], vector<16xf32>,
    %get3A_107 = arith.constant 1 : i32
    %get3A_108 = arith.index_cast %get3A_107 : i32 to index
    %get3A_109 = arith.constant 288 : index
    %get3A_110 = tpu.vector_load %arg7[%get3A_108, %get3A_109] {strides = array<i32>} : memref<5x648xf32, #tpu.memory_space<vmem>>, vector<16xf32>,
    %mul3A_111 = arith.mulf %get3A_110, %gather3A_106 : vector<16xf32>
    %add3A_112 = arith.addf %mul3A_103, %mul3A_111 : vector<16xf32>
    %broadcast_in_dim3A_113 = arith.constant 2 : i32
    %broadcast_in_dim3A_114 = vector.broadcast %broadcast_in_dim3A_113 : i32 to vector<16xi32>
    %gather3A_115 = tpu.vector_load_idx %arg8[%broadcast_in_dim3A_114] : memref<16xf32, #tpu.memory_space<vmem>>[vector<16xi32>], vector<16xf32>,
    %get3A_116 = arith.constant 2 : i32
    %get3A_117 = arith.index_cast %get3A_116 : i32 to index
    %get3A_118 = arith.constant 288 : index
    %get3A_119 = tpu.vector_load %arg7[%get3A_117, %get3A_118] {strides = array<i32>} : memref<5x648xf32, #tpu.memory_space<vmem>>, vector<16xf32>,
    %mul3A_120 = arith.mulf %get3A_119, %gather3A_115 : vector<16xf32>
    %add3A_121 = arith.addf %add3A_112, %mul3A_120 : vector<16xf32>
    %broadcast_in_dim3A_122 = arith.constant 3 : i32
    %broadcast_in_dim3A_123 = vector.broadcast %broadcast_in_dim3A_122 : i32 to vector<16xi32>
    %gather3A_124 = tpu.vector_load_idx %arg8[%broadcast_in_dim3A_123] : memref<16xf32, #tpu.memory_space<vmem>>[vector<16xi32>], vector<16xf32>,
    %get3A_125 = arith.constant 3 : i32
    %get3A_126 = arith.index_cast %get3A_125 : i32 to index
    %get3A_127 = arith.constant 288 : index
    %get3A_128 = tpu.vector_load %arg7[%get3A_126, %get3A_127] {strides = array<i32>} : memref<5x648xf32, #tpu.memory_space<vmem>>, vector<16xf32>,
    %mul3A_129 = arith.mulf %get3A_128, %gather3A_124 : vector<16xf32>
    %add3A_130 = arith.addf %add3A_121, %mul3A_129 : vector<16xf32>
    %broadcast_in_dim3A_131 = arith.constant 4 : i32
    %broadcast_in_dim3A_132 = vector.broadcast %broadcast_in_dim3A_131 : i32 to vector<16xi32>
    %gather3A_133 = tpu.vector_load_idx %arg8[%broadcast_in_dim3A_132] : memref<16xf32, #tpu.memory_space<vmem>>[vector<16xi32>], vector<16xf32>,
    %get3A_134 = arith.constant 4 : i32
    %get3A_135 = arith.index_cast %get3A_134 : i32 to index
    %get3A_136 = arith.constant 288 : index
    %get3A_137 = tpu.vector_load %arg7[%get3A_135, %get3A_136] {strides = array<i32>} : memref<5x648xf32, #tpu.memory_space<vmem>>, vector<16xf32>,
    %mul3A_138 = arith.mulf %get3A_137, %gather3A_133 : vector<16xf32>
    %add3A_139 = arith.addf %add3A_130, %mul3A_138 : vector<16xf32>
    %broadcast_in_dim3A_140 = arith.constant 0 : i32
    %broadcast_in_dim3A_141 = vector.broadcast %broadcast_in_dim3A_140 : i32 to vector<16xi32>
    %gather3A_142 = tpu.vector_load_idx %arg8[%broadcast_in_dim3A_141] : memref<16xf32, #tpu.memory_space<vmem>>[vector<16xi32>], vector<16xf32>,
    %get3A_143 = arith.constant 0 : i32
    %get3A_144 = arith.index_cast %get3A_143 : i32 to index
    %get3A_145 = arith.constant 304 : index
    %get3A_146 = tpu.vector_load %arg7[%get3A_144, %get3A_145] {strides = array<i32>} : memref<5x648xf32, #tpu.memory_space<vmem>>, vector<16xf32>,
    %mul3A_147 = arith.mulf %get3A_146, %gather3A_142 : vector<16xf32>
    %broadcast_in_dim3A_148 = arith.constant 1 : i32
    %broadcast_in_dim3A_149 = vector.broadcast %broadcast_in_dim3A_148 : i32 to vector<16xi32>
    %gather3A_150 = tpu.vector_load_idx %arg8[%broadcast_in_dim3A_149] : memref<16xf32, #tpu.memory_space<vmem>>[vector<16xi32>], vector<16xf32>,
    %get3A_151 = arith.constant 1 : i32
    %get3A_152 = arith.index_cast %get3A_151 : i32 to index
    %get3A_153 = arith.constant 304 : index
    %get3A_154 = tpu.vector_load %arg7[%get3A_152, %get3A_153] {strides = array<i32>} : memref<5x648xf32, #tpu.memory_space<vmem>>, vector<16xf32>,
    %mul3A_155 = arith.mulf %get3A_154, %gather3A_150 : vector<16xf32>
    %add3A_156 = arith.addf %mul3A_147, %mul3A_155 : vector<16xf32>
    %broadcast_in_dim3A_157 = arith.constant 2 : i32
    %broadcast_in_dim3A_158 = vector.broadcast %broadcast_in_dim3A_157 : i32 to vector<16xi32>
    %gather3A_159 = tpu.vector_load_idx %arg8[%broadcast_in_dim3A_158] : memref<16xf32, #tpu.memory_space<vmem>>[vector<16xi32>], vector<16xf32>,
    %get3A_160 = arith.constant 2 : i32
    %get3A_161 = arith.index_cast %get3A_160 : i32 to index
    %get3A_162 = arith.constant 304 : index
    %get3A_163 = tpu.vector_load %arg7[%get3A_161, %get3A_162] {strides = array<i32>} : memref<5x648xf32, #tpu.memory_space<vmem>>, vector<16xf32>,
    %mul3A_164 = arith.mulf %get3A_163, %gather3A_159 : vector<16xf32>
    %add3A_165 = arith.addf %add3A_156, %mul3A_164 : vector<16xf32>
    %broadcast_in_dim3A_166 = arith.constant 3 : i32
    %broadcast_in_dim3A_167 = vector.broadcast %broadcast_in_dim3A_166 : i32 to vector<16xi32>
    %gather3A_168 = tpu.vector_load_idx %arg8[%broadcast_in_dim3A_167] : memref<16xf32, #tpu.memory_space<vmem>>[vector<16xi32>], vector<16xf32>,
    %get3A_169 = arith.constant 3 : i32
    %get3A_170 = arith.index_cast %get3A_169 : i32 to index
    %get3A_171 = arith.constant 304 : index
    %get3A_172 = tpu.vector_load %arg7[%get3A_170, %get3A_171] {strides = array<i32>} : memref<5x648xf32, #tpu.memory_space<vmem>>, vector<16xf32>,
    %mul3A_173 = arith.mulf %get3A_172, %gather3A_168 : vector<16xf32>
    %add3A_174 = arith.addf %add3A_165, %mul3A_173 : vector<16xf32>
    %broadcast_in_dim3A_175 = arith.constant 4 : i32
    %broadcast_in_dim3A_176 = vector.broadcast %broadcast_in_dim3A_175 : i32 to vector<16xi32>
    %gather3A_177 = tpu.vector_load_idx %arg8[%broadcast_in_dim3A_176] : memref<16xf32, #tpu.memory_space<vmem>>[vector<16xi32>], vector<16xf32>,
    %get3A_178 = arith.constant 4 : i32
    %get3A_179 = arith.index_cast %get3A_178 : i32 to index
    %get3A_180 = arith.constant 304 : index
    %get3A_181 = tpu.vector_load %arg7[%get3A_179, %get3A_180] {strides = array<i32>} : memref<5x648xf32, #tpu.memory_space<vmem>>, vector<16xf32>,
    %mul3A_182 = arith.mulf %get3A_181, %gather3A_177 : vector<16xf32>
    %add3A_183 = arith.addf %add3A_174, %mul3A_182 : vector<16xf32>
    %broadcast_in_dim3A_184 = arith.constant 0 : i32
    %broadcast_in_dim3A_185 = vector.broadcast %broadcast_in_dim3A_184 : i32 to vector<16xi32>
    %gather3A_186 = tpu.vector_load_idx %arg8[%broadcast_in_dim3A_185] : memref<16xf32, #tpu.memory_space<vmem>>[vector<16xi32>], vector<16xf32>,
    %get3A_187 = arith.constant 0 : i32
    %get3A_188 = arith.index_cast %get3A_187 : i32 to index
    %get3A_189 = arith.constant 320 : index
    %get3A_190 = tpu.vector_load %arg7[%get3A_188, %get3A_189] {strides = array<i32>} : memref<5x648xf32, #tpu.memory_space<vmem>>, vector<16xf32>,
    %mul3A_191 = arith.mulf %get3A_190, %gather3A_186 : vector<16xf32>
    %broadcast_in_dim3A_192 = arith.constant 1 : i32
    %broadcast_in_dim3A_193 = vector.broadcast %broadcast_in_dim3A_192 : i32 to vector<16xi32>
    %gather3A_194 = tpu.vector_load_idx %arg8[%broadcast_in_dim3A_193] : memref<16xf32, #tpu.memory_space<vmem>>[vector<16xi32>], vector<16xf32>,
    %get3A_195 = arith.constant 1 : i32
    %get3A_196 = arith.index_cast %get3A_195 : i32 to index
    %get3A_197 = arith.constant 320 : index
    %get3A_198 = tpu.vector_load %arg7[%get3A_196, %get3A_197] {strides = array<i32>} : memref<5x648xf32, #tpu.memory_space<vmem>>, vector<16xf32>,
    %mul3A_199 = arith.mulf %get3A_198, %gather3A_194 : vector<16xf32>
    %add3A_200 = arith.addf %mul3A_191, %mul3A_199 : vector<16xf32>
    %broadcast_in_dim3A_201 = arith.constant 2 : i32
    %broadcast_in_dim3A_202 = vector.broadcast %broadcast_in_dim3A_201 : i32 to vector<16xi32>
    %gather3A_203 = tpu.vector_load_idx %arg8[%broadcast_in_dim3A_202] : memref<16xf32, #tpu.memory_space<vmem>>[vector<16xi32>], vector<16xf32>,
    %get3A_204 = arith.constant 2 : i32
    %get3A_205 = arith.index_cast %get3A_204 : i32 to index
    %get3A_206 = arith.constant 320 : index
    %get3A_207 = tpu.vector_load %arg7[%get3A_205, %get3A_206] {strides = array<i32>} : memref<5x648xf32, #tpu.memory_space<vmem>>, vector<16xf32>,
    %mul3A_208 = arith.mulf %get3A_207, %gather3A_203 : vector<16xf32>
    %add3A_209 = arith.addf %add3A_200, %mul3A_208 : vector<16xf32>
    %broadcast_in_dim3A_210 = arith.constant 3 : i32
    %broadcast_in_dim3A_211 = vector.broadcast %broadcast_in_dim3A_210 : i32 to vector<16xi32>
    %gather3A_212 = tpu.vector_load_idx %arg8[%broadcast_in_dim3A_211] : memref<16xf32, #tpu.memory_space<vmem>>[vector<16xi32>], vector<16xf32>,
    %get3A_213 = arith.constant 3 : i32
    %get3A_214 = arith.index_cast %get3A_213 : i32 to index
    %get3A_215 = arith.constant 320 : index
    %get3A_216 = tpu.vector_load %arg7[%get3A_214, %get3A_215] {strides = array<i32>} : memref<5x648xf32, #tpu.memory_space<vmem>>, vector<16xf32>,
    %mul3A_217 = arith.mulf %get3A_216, %gather3A_212 : vector<16xf32>
    %add3A_218 = arith.addf %add3A_209, %mul3A_217 : vector<16xf32>
    %broadcast_in_dim3A_219 = arith.constant 4 : i32
    %broadcast_in_dim3A_220 = vector.broadcast %broadcast_in_dim3A_219 : i32 to vector<16xi32>
    %gather3A_221 = tpu.vector_load_idx %arg8[%broadcast_in_dim3A_220] : memref<16xf32, #tpu.memory_space<vmem>>[vector<16xi32>], vector<16xf32>,
    %get3A_222 = arith.constant 4 : i32
    %get3A_223 = arith.index_cast %get3A_222 : i32 to index
    %get3A_224 = arith.constant 320 : index
    %get3A_225 = tpu.vector_load %arg7[%get3A_223, %get3A_224] {strides = array<i32>} : memref<5x648xf32, #tpu.memory_space<vmem>>, vector<16xf32>,
    %mul3A_226 = arith.mulf %get3A_225, %gather3A_221 : vector<16xf32>
    %add3A_227 = arith.addf %add3A_218, %mul3A_226 : vector<16xf32>
    %broadcast_in_dim3A_228 = arith.constant 0 : i32
    %broadcast_in_dim3A_229 = vector.broadcast %broadcast_in_dim3A_228 : i32 to vector<16xi32>
    %gather3A_230 = tpu.vector_load_idx %arg8[%broadcast_in_dim3A_229] : memref<16xf32, #tpu.memory_space<vmem>>[vector<16xi32>], vector<16xf32>,
    %get3A_231 = arith.constant 0 : i32
    %get3A_232 = arith.index_cast %get3A_231 : i32 to index
    %get3A_233 = arith.constant 336 : index
    %get3A_234 = tpu.vector_load %arg7[%get3A_232, %get3A_233] {strides = array<i32>} : memref<5x648xf32, #tpu.memory_space<vmem>>, vector<16xf32>,
    %mul3A_235 = arith.mulf %get3A_234, %gather3A_230 : vector<16xf32>
    %broadcast_in_dim3A_236 = arith.constant 1 : i32
    %broadcast_in_dim3A_237 = vector.broadcast %broadcast_in_dim3A_236 : i32 to vector<16xi32>
    %gather3A_238 = tpu.vector_load_idx %arg8[%broadcast_in_dim3A_237] : memref<16xf32, #tpu.memory_space<vmem>>[vector<16xi32>], vector<16xf32>,
    %get3A_239 = arith.constant 1 : i32
    %get3A_240 = arith.index_cast %get3A_239 : i32 to index
    %get3A_241 = arith.constant 336 : index
    %get3A_242 = tpu.vector_load %arg7[%get3A_240, %get3A_241] {strides = array<i32>} : memref<5x648xf32, #tpu.memory_space<vmem>>, vector<16xf32>,
    %mul3A_243 = arith.mulf %get3A_242, %gather3A_238 : vector<16xf32>
    %add3A_244 = arith.addf %mul3A_235, %mul3A_243 : vector<16xf32>
    %broadcast_in_dim3A_245 = arith.constant 2 : i32
    %broadcast_in_dim3A_246 = vector.broadcast %broadcast_in_dim3A_245 : i32 to vector<16xi32>
    %gather3A_247 = tpu.vector_load_idx %arg8[%broadcast_in_dim3A_246] : memref<16xf32, #tpu.memory_space<vmem>>[vector<16xi32>], vector<16xf32>,
    %get3A_248 = arith.constant 2 : i32
    %get3A_249 = arith.index_cast %get3A_248 : i32 to index
    %get3A_250 = arith.constant 336 : index
    %get3A_251 = tpu.vector_load %arg7[%get3A_249, %get3A_250] {strides = array<i32>} : memref<5x648xf32, #tpu.memory_space<vmem>>, vector<16xf32>,
    %mul3A_252 = arith.mulf %get3A_251, %gather3A_247 : vector<16xf32>
    %add3A_253 = arith.addf %add3A_244, %mul3A_252 : vector<16xf32>
    %broadcast_in_dim3A_254 = arith.constant 3 : i32
    %broadcast_in_dim3A_255 = vector.broadcast %broadcast_in_dim3A_254 : i32 to vector<16xi32>
    %gather3A_256 = tpu.vector_load_idx %arg8[%broadcast_in_dim3A_255] : memref<16xf32, #tpu.memory_space<vmem>>[vector<16xi32>], vector<16xf32>,
    %get3A_257 = arith.constant 3 : i32
    %get3A_258 = arith.index_cast %get3A_257 : i32 to index
    %get3A_259 = arith.constant 336 : index
    %get3A_260 = tpu.vector_load %arg7[%get3A_258, %get3A_259] {strides = array<i32>} : memref<5x648xf32, #tpu.memory_space<vmem>>, vector<16xf32>,
    %mul3A_261 = arith.mulf %get3A_260, %gather3A_256 : vector<16xf32>
    %add3A_262 = arith.addf %add3A_253, %mul3A_261 : vector<16xf32>
    %broadcast_in_dim3A_263 = arith.constant 4 : i32
    %broadcast_in_dim3A_264 = vector.broadcast %broadcast_in_dim3A_263 : i32 to vector<16xi32>
    %gather3A_265 = tpu.vector_load_idx %arg8[%broadcast_in_dim3A_264] : memref<16xf32, #tpu.memory_space<vmem>>[vector<16xi32>], vector<16xf32>,
    %get3A_266 = arith.constant 4 : i32
    %get3A_267 = arith.index_cast %get3A_266 : i32 to index
    %get3A_268 = arith.constant 336 : index
    %get3A_269 = tpu.vector_load %arg7[%get3A_267, %get3A_268] {strides = array<i32>} : memref<5x648xf32, #tpu.memory_space<vmem>>, vector<16xf32>,
    %mul3A_270 = arith.mulf %get3A_269, %gather3A_265 : vector<16xf32>
    %add3A_271 = arith.addf %add3A_262, %mul3A_270 : vector<16xf32>
    %broadcast_in_dim3A_272 = arith.constant 0 : i32
    %broadcast_in_dim3A_273 = vector.broadcast %broadcast_in_dim3A_272 : i32 to vector<16xi32>
    %gather3A_274 = tpu.vector_load_idx %arg8[%broadcast_in_dim3A_273] : memref<16xf32, #tpu.memory_space<vmem>>[vector<16xi32>], vector<16xf32>,
    %get3A_275 = arith.constant 0 : i32
    %get3A_276 = arith.index_cast %get3A_275 : i32 to index
    %get3A_277 = arith.constant 352 : index
    %get3A_278 = tpu.vector_load %arg7[%get3A_276, %get3A_277] {strides = array<i32>} : memref<5x648xf32, #tpu.memory_space<vmem>>, vector<16xf32>,
    %mul3A_279 = arith.mulf %get3A_278, %gather3A_274 : vector<16xf32>
    %broadcast_in_dim3A_280 = arith.constant 1 : i32
    %broadcast_in_dim3A_281 = vector.broadcast %broadcast_in_dim3A_280 : i32 to vector<16xi32>
    %gather3A_282 = tpu.vector_load_idx %arg8[%broadcast_in_dim3A_281] : memref<16xf32, #tpu.memory_space<vmem>>[vector<16xi32>], vector<16xf32>,
    %get3A_283 = arith.constant 1 : i32
    %get3A_284 = arith.index_cast %get3A_283 : i32 to index
    %get3A_285 = arith.constant 352 : index
    %get3A_286 = tpu.vector_load %arg7[%get3A_284, %get3A_285] {strides = array<i32>} : memref<5x648xf32, #tpu.memory_space<vmem>>, vector<16xf32>,
    %mul3A_287 = arith.mulf %get3A_286, %gather3A_282 : vector<16xf32>
    %add3A_288 = arith.addf %mul3A_279, %mul3A_287 : vector<16xf32>
    %broadcast_in_dim3A_289 = arith.constant 2 : i32
    %broadcast_in_dim3A_290 = vector.broadcast %broadcast_in_dim3A_289 : i32 to vector<16xi32>
    %gather3A_291 = tpu.vector_load_idx %arg8[%broadcast_in_dim3A_290] : memref<16xf32, #tpu.memory_space<vmem>>[vector<16xi32>], vector<16xf32>,
    %get3A_292 = arith.constant 2 : i32
    %get3A_293 = arith.index_cast %get3A_292 : i32 to index
    %get3A_294 = arith.constant 352 : index
    %get3A_295 = tpu.vector_load %arg7[%get3A_293, %get3A_294] {strides = array<i32>} : memref<5x648xf32, #tpu.memory_space<vmem>>, vector<16xf32>,
    %mul3A_296 = arith.mulf %get3A_295, %gather3A_291 : vector<16xf32>
    %add3A_297 = arith.addf %add3A_288, %mul3A_296 : vector<16xf32>
    %broadcast_in_dim3A_298 = arith.constant 3 : i32
    %broadcast_in_dim3A_299 = vector.broadcast %broadcast_in_dim3A_298 : i32 to vector<16xi32>
    %gather3A_300 = tpu.vector_load_idx %arg8[%broadcast_in_dim3A_299] : memref<16xf32, #tpu.memory_space<vmem>>[vector<16xi32>], vector<16xf32>,
    %get3A_301 = arith.constant 3 : i32
    %get3A_302 = arith.index_cast %get3A_301 : i32 to index
    %get3A_303 = arith.constant 352 : index
    %get3A_304 = tpu.vector_load %arg7[%get3A_302, %get3A_303] {strides = array<i32>} : memref<5x648xf32, #tpu.memory_space<vmem>>, vector<16xf32>,
    %mul3A_305 = arith.mulf %get3A_304, %gather3A_300 : vector<16xf32>
    %add3A_306 = arith.addf %add3A_297, %mul3A_305 : vector<16xf32>
    %broadcast_in_dim3A_307 = arith.constant 4 : i32
    %broadcast_in_dim3A_308 = vector.broadcast %broadcast_in_dim3A_307 : i32 to vector<16xi32>
    %gather3A_309 = tpu.vector_load_idx %arg8[%broadcast_in_dim3A_308] : memref<16xf32, #tpu.memory_space<vmem>>[vector<16xi32>], vector<16xf32>,
    %get3A_310 = arith.constant 4 : i32
    %get3A_311 = arith.index_cast %get3A_310 : i32 to index
    %get3A_312 = arith.constant 352 : index
    %get3A_313 = tpu.vector_load %arg7[%get3A_311, %get3A_312] {strides = array<i32>} : memref<5x648xf32, #tpu.memory_space<vmem>>, vector<16xf32>,
    %mul3A_314 = arith.mulf %get3A_313, %gather3A_309 : vector<16xf32>
    %add3A_315 = arith.addf %add3A_306, %mul3A_314 : vector<16xf32>
    %broadcast_in_dim3A_316 = arith.constant 0 : i32
    %broadcast_in_dim3A_317 = vector.broadcast %broadcast_in_dim3A_316 : i32 to vector<16xi32>
    %gather3A_318 = tpu.vector_load_idx %arg8[%broadcast_in_dim3A_317] : memref<16xf32, #tpu.memory_space<vmem>>[vector<16xi32>], vector<16xf32>,
    %get3A_319 = arith.constant 0 : i32
    %get3A_320 = arith.index_cast %get3A_319 : i32 to index
    %get3A_321 = arith.constant 368 : index
    %get3A_322 = tpu.vector_load %arg7[%get3A_320, %get3A_321] {strides = array<i32>} : memref<5x648xf32, #tpu.memory_space<vmem>>, vector<16xf32>,
    %mul3A_323 = arith.mulf %get3A_322, %gather3A_318 : vector<16xf32>
    %broadcast_in_dim3A_324 = arith.constant 1 : i32
    %broadcast_in_dim3A_325 = vector.broadcast %broadcast_in_dim3A_324 : i32 to vector<16xi32>
    %gather3A_326 = tpu.vector_load_idx %arg8[%broadcast_in_dim3A_325] : memref<16xf32, #tpu.memory_space<vmem>>[vector<16xi32>], vector<16xf32>,
    %get3A_327 = arith.constant 1 : i32
    %get3A_328 = arith.index_cast %get3A_327 : i32 to index
    %get3A_329 = arith.constant 368 : index
    %get3A_330 = tpu.vector_load %arg7[%get3A_328, %get3A_329] {strides = array<i32>} : memref<5x648xf32, #tpu.memory_space<vmem>>, vector<16xf32>,
    %mul3A_331 = arith.mulf %get3A_330, %gather3A_326 : vector<16xf32>
    %add3A_332 = arith.addf %mul3A_323, %mul3A_331 : vector<16xf32>
    %broadcast_in_dim3A_333 = arith.constant 2 : i32
    %broadcast_in_dim3A_334 = vector.broadcast %broadcast_in_dim3A_333 : i32 to vector<16xi32>
    %gather3A_335 = tpu.vector_load_idx %arg8[%broadcast_in_dim3A_334] : memref<16xf32, #tpu.memory_space<vmem>>[vector<16xi32>], vector<16xf32>,
    %get3A_336 = arith.constant 2 : i32
    %get3A_337 = arith.index_cast %get3A_336 : i32 to index
    %get3A_338 = arith.constant 368 : index
    %get3A_339 = tpu.vector_load %arg7[%get3A_337, %get3A_338] {strides = array<i32>} : memref<5x648xf32, #tpu.memory_space<vmem>>, vector<16xf32>,
    %mul3A_340 = arith.mulf %get3A_339, %gather3A_335 : vector<16xf32>
    %add3A_341 = arith.addf %add3A_332, %mul3A_340 : vector<16xf32>
    %broadcast_in_dim3A_342 = arith.constant 3 : i32
    %broadcast_in_dim3A_343 = vector.broadcast %broadcast_in_dim3A_342 : i32 to vector<16xi32>
    %gather3A_344 = tpu.vector_load_idx %arg8[%broadcast_in_dim3A_343] : memref<16xf32, #tpu.memory_space<vmem>>[vector<16xi32>], vector<16xf32>,
    %get3A_345 = arith.constant 3 : i32
    %get3A_346 = arith.index_cast %get3A_345 : i32 to index
    %get3A_347 = arith.constant 368 : index
    %get3A_348 = tpu.vector_load %arg7[%get3A_346, %get3A_347] {strides = array<i32>} : memref<5x648xf32, #tpu.memory_space<vmem>>, vector<16xf32>,
    %mul3A_349 = arith.mulf %get3A_348, %gather3A_344 : vector<16xf32>
    %add3A_350 = arith.addf %add3A_341, %mul3A_349 : vector<16xf32>
    %broadcast_in_dim3A_351 = arith.constant 4 : i32
    %broadcast_in_dim3A_352 = vector.broadcast %broadcast_in_dim3A_351 : i32 to vector<16xi32>
    %gather3A_353 = tpu.vector_load_idx %arg8[%broadcast_in_dim3A_352] : memref<16xf32, #tpu.memory_space<vmem>>[vector<16xi32>], vector<16xf32>,
    %get3A_354 = arith.constant 4 : i32
    %get3A_355 = arith.index_cast %get3A_354 : i32 to index
    %get3A_356 = arith.constant 368 : index
    %get3A_357 = tpu.vector_load %arg7[%get3A_355, %get3A_356] {strides = array<i32>} : memref<5x648xf32, #tpu.memory_space<vmem>>, vector<16xf32>,
    %mul3A_358 = arith.mulf %get3A_357, %gather3A_353 : vector<16xf32>
    %add3A_359 = arith.addf %add3A_350, %mul3A_358 : vector<16xf32>
    %iota3A = tpu.iota {dimensions = array<i32: 0>} : vector<16xi32>
    %eq3A = arith.constant 0 : i32
    %eq3A_360 = vector.broadcast %eq3A : i32 to vector<16xi32>
    %eq3A_361 = arith.cmpi eq, %iota3A, %eq3A_360 : vector<16xi32>
    %dma_wait3A = arith.constant 0 : i32
    %dma_wait3A_362 = arith.constant 0 : i32
    %dma_wait3A_363 = tpu.memref_slice %arg9[%dma_wait3A, %dma_wait3A_362] : memref<4x128xi32, #tpu.memory_space<vmem>> -> memref<1x128xi32, #tpu.memory_space<vmem>>
    %dma_wait3A_364 = tpu.memref_squeeze %dma_wait3A_363 : memref<1x128xi32, #tpu.memory_space<vmem>> -> memref<128xi32, #tpu.memory_space<vmem>>
    %dma_wait3A_365 = arith.constant 0 : i32
    %dma_wait3A_366 = arith.constant 0 : i32
    %dma_wait3A_367 = tpu.memref_slice %arg3[%dma_wait3A_365, %dma_wait3A_366] : memref<100000x128xf32, #tpu.memory_space<hbm>> -> memref<100000x128xf32, #tpu.memory_space<hbm>>
    tpu.wait_indirect_dma semaphore(%arg13 : memref<!tpu.dma_semaphore, #tpu.memory_space<semaphore_mem>>) src(%dma_wait3A_367 : memref<100000x128xf32, #tpu.memory_space<hbm>>) dst(%arg10 : memref<128x128xf32, #tpu.memory_space<vmem>>)
    %dma_start3A_368 = arith.constant 1 : i32
    %dma_start3A_369 = arith.constant 0 : i32
    %dma_start3A_370 = tpu.memref_slice %arg9[%dma_start3A_368, %dma_start3A_369] : memref<4x128xi32, #tpu.memory_space<vmem>> -> memref<1x128xi32, #tpu.memory_space<vmem>>
    %dma_start3A_371 = tpu.memref_squeeze %dma_start3A_370 : memref<1x128xi32, #tpu.memory_space<vmem>> -> memref<128xi32, #tpu.memory_space<vmem>>
    %dma_start3A_372 = arith.constant 0 : i32
    %dma_start3A_373 = arith.constant 0 : i32
    %dma_start3A_374 = tpu.memref_slice %arg3[%dma_start3A_372, %dma_start3A_373] : memref<100000x128xf32, #tpu.memory_space<hbm>> -> memref<100000x128xf32, #tpu.memory_space<hbm>>
    tpu.enqueue_indirect_dma source(%dma_start3A_374 : memref<100000x128xf32, #tpu.memory_space<hbm>>) target(%arg11 : memref<128x128xf32, #tpu.memory_space<vmem>>) offsets(%dma_start3A_371 : memref<128xi32, #tpu.memory_space<vmem>>) semaphore(%arg14 : memref<!tpu.dma_semaphore, #tpu.memory_space<semaphore_mem>>)
    %parallel_loop3A = arith.constant 0 : i32
    %parallel_loop3A_375 = arith.constant 128 : i32
    %parallel_loop3A_376 = arith.constant 1 : i32
    scf.for %parallel_loop3A_421 = %parallel_loop3A to %parallel_loop3A_375 step %parallel_loop3A_376  : i32 {
      %parallel_loop3A_422 = arith.index_cast %parallel_loop3A_421 : i32 to index
      %parallel_loop3A_423 = arith.constant 0 : index
      %parallel_loop3A_424 = tpu.vector_load %arg10[%parallel_loop3A_422, %parallel_loop3A_423] {strides = array<i32>} : memref<128x128xf32, #tpu.memory_space<vmem>>, vector<16xf32>,
      %parallel_loop3A_425 = arith.mulf %parallel_loop3A_424, %add3A_51 : vector<16xf32>
      %parallel_loop3A_426 = arith.index_cast %parallel_loop3A_421 : i32 to index
      %parallel_loop3A_427 = arith.constant 16 : index
      %parallel_loop3A_428 = tpu.vector_load %arg10[%parallel_loop3A_426, %parallel_loop3A_427] {strides = array<i32>} : memref<128x128xf32, #tpu.memory_space<vmem>>, vector<16xf32>,
      %parallel_loop3A_429 = arith.mulf %parallel_loop3A_428, %add3A_95 : vector<16xf32>
      %parallel_loop3A_430 = arith.index_cast %parallel_loop3A_421 : i32 to index
      %parallel_loop3A_431 = arith.constant 32 : index
      %parallel_loop3A_432 = tpu.vector_load %arg10[%parallel_loop3A_430, %parallel_loop3A_431] {strides = array<i32>} : memref<128x128xf32, #tpu.memory_space<vmem>>, vector<16xf32>,
      %parallel_loop3A_433 = arith.mulf %parallel_loop3A_432, %add3A_139 : vector<16xf32>
      %parallel_loop3A_434 = arith.index_cast %parallel_loop3A_421 : i32 to index
      %parallel_loop3A_435 = arith.constant 48 : index
      %parallel_loop3A_436 = tpu.vector_load %arg10[%parallel_loop3A_434, %parallel_loop3A_435] {strides = array<i32>} : memref<128x128xf32, #tpu.memory_space<vmem>>, vector<16xf32>,
      %parallel_loop3A_437 = arith.mulf %parallel_loop3A_436, %add3A_183 : vector<16xf32>
      %parallel_loop3A_438 = arith.index_cast %parallel_loop3A_421 : i32 to index
      %parallel_loop3A_439 = arith.constant 64 : index
      %parallel_loop3A_440 = tpu.vector_load %arg10[%parallel_loop3A_438, %parallel_loop3A_439] {strides = array<i32>} : memref<128x128xf32, #tpu.memory_space<vmem>>, vector<16xf32>,
      %parallel_loop3A_441 = arith.mulf %parallel_loop3A_440, %add3A_227 : vector<16xf32>
      %parallel_loop3A_442 = arith.index_cast %parallel_loop3A_421 : i32 to index
      %parallel_loop3A_443 = arith.constant 80 : index
      %parallel_loop3A_444 = tpu.vector_load %arg10[%parallel_loop3A_442, %parallel_loop3A_443] {strides = array<i32>} : memref<128x128xf32, #tpu.memory_space<vmem>>, vector<16xf32>,
      %parallel_loop3A_445 = arith.mulf %parallel_loop3A_444, %add3A_271 : vector<16xf32>
      %parallel_loop3A_446 = arith.index_cast %parallel_loop3A_421 : i32 to index
      %parallel_loop3A_447 = arith.constant 96 : index
      %parallel_loop3A_448 = tpu.vector_load %arg10[%parallel_loop3A_446, %parallel_loop3A_447] {strides = array<i32>} : memref<128x128xf32, #tpu.memory_space<vmem>>, vector<16xf32>,
      %parallel_loop3A_449 = arith.mulf %parallel_loop3A_448, %add3A_315 : vector<16xf32>
      %parallel_loop3A_450 = arith.index_cast %parallel_loop3A_421 : i32 to index
      %parallel_loop3A_451 = arith.constant 112 : index
      %parallel_loop3A_452 = tpu.vector_load %arg10[%parallel_loop3A_450, %parallel_loop3A_451] {strides = array<i32>} : memref<128x128xf32, #tpu.memory_space<vmem>>, vector<16xf32>,
      %parallel_loop3A_453 = arith.mulf %parallel_loop3A_452, %add3A_359 : vector<16xf32>
      %parallel_loop3A_454 = arith.addf %parallel_loop3A_425, %parallel_loop3A_429 : vector<16xf32>
      %parallel_loop3A_455 = arith.addf %parallel_loop3A_433, %parallel_loop3A_437 : vector<16xf32>
      %parallel_loop3A_456 = arith.addf %parallel_loop3A_441, %parallel_loop3A_445 : vector<16xf32>
      %parallel_loop3A_457 = arith.addf %parallel_loop3A_449, %parallel_loop3A_453 : vector<16xf32>
      %parallel_loop3A_458 = arith.addf %parallel_loop3A_454, %parallel_loop3A_455 : vector<16xf32>
      %parallel_loop3A_459 = arith.addf %parallel_loop3A_456, %parallel_loop3A_457 : vector<16xf32>
      %parallel_loop3A_460 = arith.addf %parallel_loop3A_458, %parallel_loop3A_459 : vector<16xf32>
      %parallel_loop3A_461 = arith.constant true
      %parallel_loop3A_462 = vector.broadcast %parallel_loop3A_461 : i1 to vector<16xi1>
      %parallel_loop3A_463 = tpu.scan <sum>, %parallel_loop3A_460 masked %parallel_loop3A_462 : vector<16xf32>, vector<16xi1> -> vector<16xf32>
      %parallel_loop3A_464 = vector.extract %parallel_loop3A_463[15] : f32 from vector<16xf32>
      %parallel_loop3A_465 = arith.constant 0 : i32
      %parallel_loop3A_466 = arith.addi %parallel_loop3A_465, %parallel_loop3A_421 : i32
      %parallel_loop3A_467 = vector.broadcast %parallel_loop3A_466 : i32 to vector<16xi32>
      %parallel_loop3A_468 = vector.broadcast %parallel_loop3A_464 : f32 to vector<16xf32>
      tpu.vector_store_idx %arg12[%parallel_loop3A_467], %parallel_loop3A_468 masked %eq3A_361 : memref<512xf32, #tpu.memory_space<vmem>>[vector<16xi32>], vector<16xf32>, vector<16xi1>
    } {sc.loop_unroll_factor = 2 : i64, sc.parallel_access}
    %dma_wait3A_377 = arith.constant 1 : i32
    %dma_wait3A_378 = arith.constant 0 : i32
    %dma_wait3A_379 = tpu.memref_slice %arg9[%dma_wait3A_377, %dma_wait3A_378] : memref<4x128xi32, #tpu.memory_space<vmem>> -> memref<1x128xi32, #tpu.memory_space<vmem>>
    %dma_wait3A_380 = tpu.memref_squeeze %dma_wait3A_379 : memref<1x128xi32, #tpu.memory_space<vmem>> -> memref<128xi32, #tpu.memory_space<vmem>>
    %dma_wait3A_381 = arith.constant 0 : i32
    %dma_wait3A_382 = arith.constant 0 : i32
    %dma_wait3A_383 = tpu.memref_slice %arg3[%dma_wait3A_381, %dma_wait3A_382] : memref<100000x128xf32, #tpu.memory_space<hbm>> -> memref<100000x128xf32, #tpu.memory_space<hbm>>
    tpu.wait_indirect_dma semaphore(%arg14 : memref<!tpu.dma_semaphore, #tpu.memory_space<semaphore_mem>>) src(%dma_wait3A_383 : memref<100000x128xf32, #tpu.memory_space<hbm>>) dst(%arg11 : memref<128x128xf32, #tpu.memory_space<vmem>>)
    %dma_start3A_384 = arith.constant 2 : i32
    %dma_start3A_385 = arith.constant 0 : i32
    %dma_start3A_386 = tpu.memref_slice %arg9[%dma_start3A_384, %dma_start3A_385] : memref<4x128xi32, #tpu.memory_space<vmem>> -> memref<1x128xi32, #tpu.memory_space<vmem>>
    %dma_start3A_387 = tpu.memref_squeeze %dma_start3A_386 : memref<1x128xi32, #tpu.memory_space<vmem>> -> memref<128xi32, #tpu.memory_space<vmem>>
    %dma_start3A_388 = arith.constant 0 : i32
    %dma_start3A_389 = arith.constant 0 : i32
    %dma_start3A_390 = tpu.memref_slice %arg3[%dma_start3A_388, %dma_start3A_389] : memref<100000x128xf32, #tpu.memory_space<hbm>> -> memref<100000x128xf32, #tpu.memory_space<hbm>>
    tpu.enqueue_indirect_dma source(%dma_start3A_390 : memref<100000x128xf32, #tpu.memory_space<hbm>>) target(%arg10 : memref<128x128xf32, #tpu.memory_space<vmem>>) offsets(%dma_start3A_387 : memref<128xi32, #tpu.memory_space<vmem>>) semaphore(%arg13 : memref<!tpu.dma_semaphore, #tpu.memory_space<semaphore_mem>>)
    %parallel_loop3A_391 = arith.constant 0 : i32
    %parallel_loop3A_392 = arith.constant 128 : i32
    %parallel_loop3A_393 = arith.constant 1 : i32
    scf.for %parallel_loop3A_421 = %parallel_loop3A_391 to %parallel_loop3A_392 step %parallel_loop3A_393  : i32 {
      %parallel_loop3A_422 = arith.index_cast %parallel_loop3A_421 : i32 to index
      %parallel_loop3A_423 = arith.constant 0 : index
      %parallel_loop3A_424 = tpu.vector_load %arg11[%parallel_loop3A_422, %parallel_loop3A_423] {strides = array<i32>} : memref<128x128xf32, #tpu.memory_space<vmem>>, vector<16xf32>,
      %parallel_loop3A_425 = arith.mulf %parallel_loop3A_424, %add3A_51 : vector<16xf32>
      %parallel_loop3A_426 = arith.index_cast %parallel_loop3A_421 : i32 to index
      %parallel_loop3A_427 = arith.constant 16 : index
      %parallel_loop3A_428 = tpu.vector_load %arg11[%parallel_loop3A_426, %parallel_loop3A_427] {strides = array<i32>} : memref<128x128xf32, #tpu.memory_space<vmem>>, vector<16xf32>,
      %parallel_loop3A_429 = arith.mulf %parallel_loop3A_428, %add3A_95 : vector<16xf32>
      %parallel_loop3A_430 = arith.index_cast %parallel_loop3A_421 : i32 to index
      %parallel_loop3A_431 = arith.constant 32 : index
      %parallel_loop3A_432 = tpu.vector_load %arg11[%parallel_loop3A_430, %parallel_loop3A_431] {strides = array<i32>} : memref<128x128xf32, #tpu.memory_space<vmem>>, vector<16xf32>,
      %parallel_loop3A_433 = arith.mulf %parallel_loop3A_432, %add3A_139 : vector<16xf32>
      %parallel_loop3A_434 = arith.index_cast %parallel_loop3A_421 : i32 to index
      %parallel_loop3A_435 = arith.constant 48 : index
      %parallel_loop3A_436 = tpu.vector_load %arg11[%parallel_loop3A_434, %parallel_loop3A_435] {strides = array<i32>} : memref<128x128xf32, #tpu.memory_space<vmem>>, vector<16xf32>,
      %parallel_loop3A_437 = arith.mulf %parallel_loop3A_436, %add3A_183 : vector<16xf32>
      %parallel_loop3A_438 = arith.index_cast %parallel_loop3A_421 : i32 to index
      %parallel_loop3A_439 = arith.constant 64 : index
      %parallel_loop3A_440 = tpu.vector_load %arg11[%parallel_loop3A_438, %parallel_loop3A_439] {strides = array<i32>} : memref<128x128xf32, #tpu.memory_space<vmem>>, vector<16xf32>,
      %parallel_loop3A_441 = arith.mulf %parallel_loop3A_440, %add3A_227 : vector<16xf32>
      %parallel_loop3A_442 = arith.index_cast %parallel_loop3A_421 : i32 to index
      %parallel_loop3A_443 = arith.constant 80 : index
      %parallel_loop3A_444 = tpu.vector_load %arg11[%parallel_loop3A_442, %parallel_loop3A_443] {strides = array<i32>} : memref<128x128xf32, #tpu.memory_space<vmem>>, vector<16xf32>,
      %parallel_loop3A_445 = arith.mulf %parallel_loop3A_444, %add3A_271 : vector<16xf32>
      %parallel_loop3A_446 = arith.index_cast %parallel_loop3A_421 : i32 to index
      %parallel_loop3A_447 = arith.constant 96 : index
      %parallel_loop3A_448 = tpu.vector_load %arg11[%parallel_loop3A_446, %parallel_loop3A_447] {strides = array<i32>} : memref<128x128xf32, #tpu.memory_space<vmem>>, vector<16xf32>,
      %parallel_loop3A_449 = arith.mulf %parallel_loop3A_448, %add3A_315 : vector<16xf32>
      %parallel_loop3A_450 = arith.index_cast %parallel_loop3A_421 : i32 to index
      %parallel_loop3A_451 = arith.constant 112 : index
      %parallel_loop3A_452 = tpu.vector_load %arg11[%parallel_loop3A_450, %parallel_loop3A_451] {strides = array<i32>} : memref<128x128xf32, #tpu.memory_space<vmem>>, vector<16xf32>,
      %parallel_loop3A_453 = arith.mulf %parallel_loop3A_452, %add3A_359 : vector<16xf32>
      %parallel_loop3A_454 = arith.addf %parallel_loop3A_425, %parallel_loop3A_429 : vector<16xf32>
      %parallel_loop3A_455 = arith.addf %parallel_loop3A_433, %parallel_loop3A_437 : vector<16xf32>
      %parallel_loop3A_456 = arith.addf %parallel_loop3A_441, %parallel_loop3A_445 : vector<16xf32>
      %parallel_loop3A_457 = arith.addf %parallel_loop3A_449, %parallel_loop3A_453 : vector<16xf32>
      %parallel_loop3A_458 = arith.addf %parallel_loop3A_454, %parallel_loop3A_455 : vector<16xf32>
      %parallel_loop3A_459 = arith.addf %parallel_loop3A_456, %parallel_loop3A_457 : vector<16xf32>
      %parallel_loop3A_460 = arith.addf %parallel_loop3A_458, %parallel_loop3A_459 : vector<16xf32>
      %parallel_loop3A_461 = arith.constant true
      %parallel_loop3A_462 = vector.broadcast %parallel_loop3A_461 : i1 to vector<16xi1>
      %parallel_loop3A_463 = tpu.scan <sum>, %parallel_loop3A_460 masked %parallel_loop3A_462 : vector<16xf32>, vector<16xi1> -> vector<16xf32>
      %parallel_loop3A_464 = vector.extract %parallel_loop3A_463[15] : f32 from vector<16xf32>
      %parallel_loop3A_465 = arith.constant 128 : i32
      %parallel_loop3A_466 = arith.addi %parallel_loop3A_465, %parallel_loop3A_421 : i32
      %parallel_loop3A_467 = vector.broadcast %parallel_loop3A_466 : i32 to vector<16xi32>
      %parallel_loop3A_468 = vector.broadcast %parallel_loop3A_464 : f32 to vector<16xf32>
      tpu.vector_store_idx %arg12[%parallel_loop3A_467], %parallel_loop3A_468 masked %eq3A_361 : memref<512xf32, #tpu.memory_space<vmem>>[vector<16xi32>], vector<16xf32>, vector<16xi1>
    } {sc.loop_unroll_factor = 2 : i64, sc.parallel_access}
    %dma_wait3A_394 = arith.constant 2 : i32
    %dma_wait3A_395 = arith.constant 0 : i32
    %dma_wait3A_396 = tpu.memref_slice %arg9[%dma_wait3A_394, %dma_wait3A_395] : memref<4x128xi32, #tpu.memory_space<vmem>> -> memref<1x128xi32, #tpu.memory_space<vmem>>
    %dma_wait3A_397 = tpu.memref_squeeze %dma_wait3A_396 : memref<1x128xi32, #tpu.memory_space<vmem>> -> memref<128xi32, #tpu.memory_space<vmem>>
    %dma_wait3A_398 = arith.constant 0 : i32
    %dma_wait3A_399 = arith.constant 0 : i32
    %dma_wait3A_400 = tpu.memref_slice %arg3[%dma_wait3A_398, %dma_wait3A_399] : memref<100000x128xf32, #tpu.memory_space<hbm>> -> memref<100000x128xf32, #tpu.memory_space<hbm>>
    tpu.wait_indirect_dma semaphore(%arg13 : memref<!tpu.dma_semaphore, #tpu.memory_space<semaphore_mem>>) src(%dma_wait3A_400 : memref<100000x128xf32, #tpu.memory_space<hbm>>) dst(%arg10 : memref<128x128xf32, #tpu.memory_space<vmem>>)
    %dma_start3A_401 = arith.constant 3 : i32
    %dma_start3A_402 = arith.constant 0 : i32
    %dma_start3A_403 = tpu.memref_slice %arg9[%dma_start3A_401, %dma_start3A_402] : memref<4x128xi32, #tpu.memory_space<vmem>> -> memref<1x128xi32, #tpu.memory_space<vmem>>
    %dma_start3A_404 = tpu.memref_squeeze %dma_start3A_403 : memref<1x128xi32, #tpu.memory_space<vmem>> -> memref<128xi32, #tpu.memory_space<vmem>>
    %dma_start3A_405 = arith.constant 0 : i32
    %dma_start3A_406 = arith.constant 0 : i32
    %dma_start3A_407 = tpu.memref_slice %arg3[%dma_start3A_405, %dma_start3A_406] : memref<100000x128xf32, #tpu.memory_space<hbm>> -> memref<100000x128xf32, #tpu.memory_space<hbm>>
    tpu.enqueue_indirect_dma source(%dma_start3A_407 : memref<100000x128xf32, #tpu.memory_space<hbm>>) target(%arg11 : memref<128x128xf32, #tpu.memory_space<vmem>>) offsets(%dma_start3A_404 : memref<128xi32, #tpu.memory_space<vmem>>) semaphore(%arg14 : memref<!tpu.dma_semaphore, #tpu.memory_space<semaphore_mem>>)
    %parallel_loop3A_408 = arith.constant 0 : i32
    %parallel_loop3A_409 = arith.constant 128 : i32
    %parallel_loop3A_410 = arith.constant 1 : i32
    scf.for %parallel_loop3A_421 = %parallel_loop3A_408 to %parallel_loop3A_409 step %parallel_loop3A_410  : i32 {
      %parallel_loop3A_422 = arith.index_cast %parallel_loop3A_421 : i32 to index
      %parallel_loop3A_423 = arith.constant 0 : index
      %parallel_loop3A_424 = tpu.vector_load %arg10[%parallel_loop3A_422, %parallel_loop3A_423] {strides = array<i32>} : memref<128x128xf32, #tpu.memory_space<vmem>>, vector<16xf32>,
      %parallel_loop3A_425 = arith.mulf %parallel_loop3A_424, %add3A_51 : vector<16xf32>
      %parallel_loop3A_426 = arith.index_cast %parallel_loop3A_421 : i32 to index
      %parallel_loop3A_427 = arith.constant 16 : index
      %parallel_loop3A_428 = tpu.vector_load %arg10[%parallel_loop3A_426, %parallel_loop3A_427] {strides = array<i32>} : memref<128x128xf32, #tpu.memory_space<vmem>>, vector<16xf32>,
      %parallel_loop3A_429 = arith.mulf %parallel_loop3A_428, %add3A_95 : vector<16xf32>
      %parallel_loop3A_430 = arith.index_cast %parallel_loop3A_421 : i32 to index
      %parallel_loop3A_431 = arith.constant 32 : index
      %parallel_loop3A_432 = tpu.vector_load %arg10[%parallel_loop3A_430, %parallel_loop3A_431] {strides = array<i32>} : memref<128x128xf32, #tpu.memory_space<vmem>>, vector<16xf32>,
      %parallel_loop3A_433 = arith.mulf %parallel_loop3A_432, %add3A_139 : vector<16xf32>
      %parallel_loop3A_434 = arith.index_cast %parallel_loop3A_421 : i32 to index
      %parallel_loop3A_435 = arith.constant 48 : index
      %parallel_loop3A_436 = tpu.vector_load %arg10[%parallel_loop3A_434, %parallel_loop3A_435] {strides = array<i32>} : memref<128x128xf32, #tpu.memory_space<vmem>>, vector<16xf32>,
      %parallel_loop3A_437 = arith.mulf %parallel_loop3A_436, %add3A_183 : vector<16xf32>
      %parallel_loop3A_438 = arith.index_cast %parallel_loop3A_421 : i32 to index
      %parallel_loop3A_439 = arith.constant 64 : index
      %parallel_loop3A_440 = tpu.vector_load %arg10[%parallel_loop3A_438, %parallel_loop3A_439] {strides = array<i32>} : memref<128x128xf32, #tpu.memory_space<vmem>>, vector<16xf32>,
      %parallel_loop3A_441 = arith.mulf %parallel_loop3A_440, %add3A_227 : vector<16xf32>
      %parallel_loop3A_442 = arith.index_cast %parallel_loop3A_421 : i32 to index
      %parallel_loop3A_443 = arith.constant 80 : index
      %parallel_loop3A_444 = tpu.vector_load %arg10[%parallel_loop3A_442, %parallel_loop3A_443] {strides = array<i32>} : memref<128x128xf32, #tpu.memory_space<vmem>>, vector<16xf32>,
      %parallel_loop3A_445 = arith.mulf %parallel_loop3A_444, %add3A_271 : vector<16xf32>
      %parallel_loop3A_446 = arith.index_cast %parallel_loop3A_421 : i32 to index
      %parallel_loop3A_447 = arith.constant 96 : index
      %parallel_loop3A_448 = tpu.vector_load %arg10[%parallel_loop3A_446, %parallel_loop3A_447] {strides = array<i32>} : memref<128x128xf32, #tpu.memory_space<vmem>>, vector<16xf32>,
      %parallel_loop3A_449 = arith.mulf %parallel_loop3A_448, %add3A_315 : vector<16xf32>
      %parallel_loop3A_450 = arith.index_cast %parallel_loop3A_421 : i32 to index
      %parallel_loop3A_451 = arith.constant 112 : index
      %parallel_loop3A_452 = tpu.vector_load %arg10[%parallel_loop3A_450, %parallel_loop3A_451] {strides = array<i32>} : memref<128x128xf32, #tpu.memory_space<vmem>>, vector<16xf32>,
      %parallel_loop3A_453 = arith.mulf %parallel_loop3A_452, %add3A_359 : vector<16xf32>
      %parallel_loop3A_454 = arith.addf %parallel_loop3A_425, %parallel_loop3A_429 : vector<16xf32>
      %parallel_loop3A_455 = arith.addf %parallel_loop3A_433, %parallel_loop3A_437 : vector<16xf32>
      %parallel_loop3A_456 = arith.addf %parallel_loop3A_441, %parallel_loop3A_445 : vector<16xf32>
      %parallel_loop3A_457 = arith.addf %parallel_loop3A_449, %parallel_loop3A_453 : vector<16xf32>
      %parallel_loop3A_458 = arith.addf %parallel_loop3A_454, %parallel_loop3A_455 : vector<16xf32>
      %parallel_loop3A_459 = arith.addf %parallel_loop3A_456, %parallel_loop3A_457 : vector<16xf32>
      %parallel_loop3A_460 = arith.addf %parallel_loop3A_458, %parallel_loop3A_459 : vector<16xf32>
      %parallel_loop3A_461 = arith.constant true
      %parallel_loop3A_462 = vector.broadcast %parallel_loop3A_461 : i1 to vector<16xi1>
      %parallel_loop3A_463 = tpu.scan <sum>, %parallel_loop3A_460 masked %parallel_loop3A_462 : vector<16xf32>, vector<16xi1> -> vector<16xf32>
      %parallel_loop3A_464 = vector.extract %parallel_loop3A_463[15] : f32 from vector<16xf32>
      %parallel_loop3A_465 = arith.constant 256 : i32
      %parallel_loop3A_466 = arith.addi %parallel_loop3A_465, %parallel_loop3A_421 : i32
      %parallel_loop3A_467 = vector.broadcast %parallel_loop3A_466 : i32 to vector<16xi32>
      %parallel_loop3A_468 = vector.broadcast %parallel_loop3A_464 : f32 to vector<16xf32>
      tpu.vector_store_idx %arg12[%parallel_loop3A_467], %parallel_loop3A_468 masked %eq3A_361 : memref<512xf32, #tpu.memory_space<vmem>>[vector<16xi32>], vector<16xf32>, vector<16xi1>
    } {sc.loop_unroll_factor = 2 : i64, sc.parallel_access}
    %dma_wait3A_411 = arith.constant 3 : i32
    %dma_wait3A_412 = arith.constant 0 : i32
    %dma_wait3A_413 = tpu.memref_slice %arg9[%dma_wait3A_411, %dma_wait3A_412] : memref<4x128xi32, #tpu.memory_space<vmem>> -> memref<1x128xi32, #tpu.memory_space<vmem>>
    %dma_wait3A_414 = tpu.memref_squeeze %dma_wait3A_413 : memref<1x128xi32, #tpu.memory_space<vmem>> -> memref<128xi32, #tpu.memory_space<vmem>>
    %dma_wait3A_415 = arith.constant 0 : i32
    %dma_wait3A_416 = arith.constant 0 : i32
    %dma_wait3A_417 = tpu.memref_slice %arg3[%dma_wait3A_415, %dma_wait3A_416] : memref<100000x128xf32, #tpu.memory_space<hbm>> -> memref<100000x128xf32, #tpu.memory_space<hbm>>
    tpu.wait_indirect_dma semaphore(%arg14 : memref<!tpu.dma_semaphore, #tpu.memory_space<semaphore_mem>>) src(%dma_wait3A_417 : memref<100000x128xf32, #tpu.memory_space<hbm>>) dst(%arg11 : memref<128x128xf32, #tpu.memory_space<vmem>>)
    %parallel_loop3A_418 = arith.constant 0 : i32
    %parallel_loop3A_419 = arith.constant 128 : i32
    %parallel_loop3A_420 = arith.constant 1 : i32
    scf.for %parallel_loop3A_421 = %parallel_loop3A_418 to %parallel_loop3A_419 step %parallel_loop3A_420  : i32 {
      %parallel_loop3A_422 = arith.index_cast %parallel_loop3A_421 : i32 to index
      %parallel_loop3A_423 = arith.constant 0 : index
      %parallel_loop3A_424 = tpu.vector_load %arg11[%parallel_loop3A_422, %parallel_loop3A_423] {strides = array<i32>} : memref<128x128xf32, #tpu.memory_space<vmem>>, vector<16xf32>,
      %parallel_loop3A_425 = arith.mulf %parallel_loop3A_424, %add3A_51 : vector<16xf32>
      %parallel_loop3A_426 = arith.index_cast %parallel_loop3A_421 : i32 to index
      %parallel_loop3A_427 = arith.constant 16 : index
      %parallel_loop3A_428 = tpu.vector_load %arg11[%parallel_loop3A_426, %parallel_loop3A_427] {strides = array<i32>} : memref<128x128xf32, #tpu.memory_space<vmem>>, vector<16xf32>,
      %parallel_loop3A_429 = arith.mulf %parallel_loop3A_428, %add3A_95 : vector<16xf32>
      %parallel_loop3A_430 = arith.index_cast %parallel_loop3A_421 : i32 to index
      %parallel_loop3A_431 = arith.constant 32 : index
      %parallel_loop3A_432 = tpu.vector_load %arg11[%parallel_loop3A_430, %parallel_loop3A_431] {strides = array<i32>} : memref<128x128xf32, #tpu.memory_space<vmem>>, vector<16xf32>,
      %parallel_loop3A_433 = arith.mulf %parallel_loop3A_432, %add3A_139 : vector<16xf32>
      %parallel_loop3A_434 = arith.index_cast %parallel_loop3A_421 : i32 to index
      %parallel_loop3A_435 = arith.constant 48 : index
      %parallel_loop3A_436 = tpu.vector_load %arg11[%parallel_loop3A_434, %parallel_loop3A_435] {strides = array<i32>} : memref<128x128xf32, #tpu.memory_space<vmem>>, vector<16xf32>,
      %parallel_loop3A_437 = arith.mulf %parallel_loop3A_436, %add3A_183 : vector<16xf32>
      %parallel_loop3A_438 = arith.index_cast %parallel_loop3A_421 : i32 to index
      %parallel_loop3A_439 = arith.constant 64 : index
      %parallel_loop3A_440 = tpu.vector_load %arg11[%parallel_loop3A_438, %parallel_loop3A_439] {strides = array<i32>} : memref<128x128xf32, #tpu.memory_space<vmem>>, vector<16xf32>,
      %parallel_loop3A_441 = arith.mulf %parallel_loop3A_440, %add3A_227 : vector<16xf32>
      %parallel_loop3A_442 = arith.index_cast %parallel_loop3A_421 : i32 to index
      %parallel_loop3A_443 = arith.constant 80 : index
      %parallel_loop3A_444 = tpu.vector_load %arg11[%parallel_loop3A_442, %parallel_loop3A_443] {strides = array<i32>} : memref<128x128xf32, #tpu.memory_space<vmem>>, vector<16xf32>,
      %parallel_loop3A_445 = arith.mulf %parallel_loop3A_444, %add3A_271 : vector<16xf32>
      %parallel_loop3A_446 = arith.index_cast %parallel_loop3A_421 : i32 to index
      %parallel_loop3A_447 = arith.constant 96 : index
      %parallel_loop3A_448 = tpu.vector_load %arg11[%parallel_loop3A_446, %parallel_loop3A_447] {strides = array<i32>} : memref<128x128xf32, #tpu.memory_space<vmem>>, vector<16xf32>,
      %parallel_loop3A_449 = arith.mulf %parallel_loop3A_448, %add3A_315 : vector<16xf32>
      %parallel_loop3A_450 = arith.index_cast %parallel_loop3A_421 : i32 to index
      %parallel_loop3A_451 = arith.constant 112 : index
      %parallel_loop3A_452 = tpu.vector_load %arg11[%parallel_loop3A_450, %parallel_loop3A_451] {strides = array<i32>} : memref<128x128xf32, #tpu.memory_space<vmem>>, vector<16xf32>,
      %parallel_loop3A_453 = arith.mulf %parallel_loop3A_452, %add3A_359 : vector<16xf32>
      %parallel_loop3A_454 = arith.addf %parallel_loop3A_425, %parallel_loop3A_429 : vector<16xf32>
      %parallel_loop3A_455 = arith.addf %parallel_loop3A_433, %parallel_loop3A_437 : vector<16xf32>
      %parallel_loop3A_456 = arith.addf %parallel_loop3A_441, %parallel_loop3A_445 : vector<16xf32>
      %parallel_loop3A_457 = arith.addf %parallel_loop3A_449, %parallel_loop3A_453 : vector<16xf32>
      %parallel_loop3A_458 = arith.addf %parallel_loop3A_454, %parallel_loop3A_455 : vector<16xf32>
      %parallel_loop3A_459 = arith.addf %parallel_loop3A_456, %parallel_loop3A_457 : vector<16xf32>
      %parallel_loop3A_460 = arith.addf %parallel_loop3A_458, %parallel_loop3A_459 : vector<16xf32>
      %parallel_loop3A_461 = arith.constant true
      %parallel_loop3A_462 = vector.broadcast %parallel_loop3A_461 : i1 to vector<16xi1>
      %parallel_loop3A_463 = tpu.scan <sum>, %parallel_loop3A_460 masked %parallel_loop3A_462 : vector<16xf32>, vector<16xi1> -> vector<16xf32>
      %parallel_loop3A_464 = vector.extract %parallel_loop3A_463[15] : f32 from vector<16xf32>
      %parallel_loop3A_465 = arith.constant 384 : i32
      %parallel_loop3A_466 = arith.addi %parallel_loop3A_465, %parallel_loop3A_421 : i32
      %parallel_loop3A_467 = vector.broadcast %parallel_loop3A_466 : i32 to vector<16xi32>
      %parallel_loop3A_468 = vector.broadcast %parallel_loop3A_464 : f32 to vector<16xf32>
      tpu.vector_store_idx %arg12[%parallel_loop3A_467], %parallel_loop3A_468 masked %eq3A_361 : memref<512xf32, #tpu.memory_space<vmem>>[vector<16xi32>], vector<16xf32>, vector<16xi1>
    } {sc.loop_unroll_factor = 2 : i64, sc.parallel_access}
    "tpu.region"() ({
      %run_scoped3A = tpu.sem_alloc : memref<!tpu.dma_semaphore, #tpu.memory_space<semaphore_mem>>
      %dma_start3A_421 = tpu.memref_slice %arg6[%mul3A_2] : memref<16384xf32, #tpu.memory_space<hbm>> -> memref<512xf32, #tpu.memory_space<hbm>>
      %dma_start3A_422 = tpu.memref_slice %arg6[%mul3A_2] : memref<16384xf32, #tpu.memory_space<hbm>> -> memref<512xf32, #tpu.memory_space<hbm>>
      tpu.enqueue_dma source(%arg12 : memref<512xf32, #tpu.memory_space<vmem>>) target(%dma_start3A_422 : memref<512xf32, #tpu.memory_space<hbm>>) target_semaphore(%run_scoped3A : memref<!tpu.dma_semaphore, #tpu.memory_space<semaphore_mem>>)
      %dma_wait3A_423 = tpu.memref_slice %arg6[%mul3A_2] : memref<16384xf32, #tpu.memory_space<hbm>> -> memref<512xf32, #tpu.memory_space<hbm>>
      %dma_wait3A_424 = tpu.memref_slice %arg6[%mul3A_2] : memref<16384xf32, #tpu.memory_space<hbm>> -> memref<512xf32, #tpu.memory_space<hbm>>
      tpu.wait_dma2 semaphore(%run_scoped3A : memref<!tpu.dma_semaphore, #tpu.memory_space<semaphore_mem>>) src(%arg12 : memref<512xf32, #tpu.memory_space<vmem>>) dst(%dma_wait3A_424 : memref<512xf32, #tpu.memory_space<hbm>>)
      tpu.yield
    }) : () -> ()
    return
  }
}

module attributes {stable_mosaic.version = 14 : i64} {
  func.func @_dense_body(%arg0: i32, %arg1: memref<648x5xf32, #tpu.memory_space<vmem>>, %arg2: memref<5x1xf32, #tpu.memory_space<vmem>>, %arg3: memref<256x128xf32, #tpu.memory_space<vmem>>, %arg4: memref<2048x256xf32, #tpu.memory_space<vmem>>, %arg5: memref<2048x128xf32, #tpu.memory_space<vmem>>, %arg6: memref<2048x1xf32, #tpu.memory_space<vmem>>) attributes {dimension_semantics = [#tpu.dimension_semantics<arbitrary>], iteration_bounds = array<i64: 8>, scalar_prefetch = 0 : i64, scratch_operands = 0 : i64, tpu.core_type = #tpu.core_type<tc>, window_params = [{pipeline_mode = #tpu.pipeline_mode<synchronous>, transform_indices = @transform_0, window_bounds = array<i64: 648, 5>}, {pipeline_mode = #tpu.pipeline_mode<synchronous>, transform_indices = @transform_1, window_bounds = array<i64: 5, 1>}, {pipeline_mode = #tpu.pipeline_mode<synchronous>, transform_indices = @transform_2, window_bounds = array<i64: 256, 128>}, {transform_indices = @transform_3, window_bounds = array<i64: 2048, 256>}, {transform_indices = @transform_4, window_bounds = array<i64: 2048, 128>}, {transform_indices = @transform_5, window_bounds = array<i64: 2048, 1>}]} {
    %get3A = arith.constant 0 : index
    %get3A_0 = arith.constant 0 : index
    %get3A_1 = vector.load %arg1[%get3A, %get3A_0] : memref<648x5xf32, #tpu.memory_space<vmem>>, vector<648x5xf32>
    %get3A_2 = arith.constant 0 : index
    %get3A_3 = arith.constant 0 : index
    %get3A_4 = vector.load %arg2[%get3A_2, %get3A_3] : memref<5x1xf32, #tpu.memory_space<vmem>>, vector<5x1xf32>
    %dot_general3A = arith.constant dense<0.000000e+00> : vector<648x1xf32>
    %dot_general3A_5 = tpu.matmul %get3A_1, %get3A_4, %dot_general3A {dimension_numbers = #tpu.dot_dimension_numbers<[1], [0], [0], [1], [0, 0, 1, 1], [], []>, transpose_lhs_hint = false} : vector<648x5xf32>, vector<5x1xf32>, vector<648x1xf32> -> vector<648x1xf32>
    %get3A_6 = arith.constant 0 : index
    %get3A_7 = arith.constant 0 : index
    %get3A_8 = vector.load %arg3[%get3A_6, %get3A_7] : memref<256x128xf32, #tpu.memory_space<vmem>>, vector<256x128xf32>
    %slice3A = vector.extract_strided_slice %dot_general3A_5 {offsets = [384, 0], sizes = [128, 1], strides = [1, 1]} : vector<648x1xf32> to vector<128x1xf32>
    %dot_general3A_9 = arith.constant dense<0.000000e+00> : vector<256x1xf32>
    %dot_general3A_10 = tpu.matmul %get3A_8, %slice3A, %dot_general3A_9 {dimension_numbers = #tpu.dot_dimension_numbers<[1], [0], [0], [1], [0, 0, 1, 1], [], []>, transpose_lhs_hint = false} : vector<256x128xf32>, vector<128x1xf32>, vector<256x1xf32> -> vector<256x1xf32>
    %get3A_11 = arith.constant 0 : index
    %get3A_12 = arith.constant 0 : index
    %get3A_13 = vector.load %arg4[%get3A_11, %get3A_12] : memref<2048x256xf32, #tpu.memory_space<vmem>>, vector<2048x256xf32>
    %dot_general3A_14 = arith.constant dense<0.000000e+00> : vector<2048x1xf32>
    %dot_general3A_15 = tpu.matmul %get3A_13, %dot_general3A_10, %dot_general3A_14 {dimension_numbers = #tpu.dot_dimension_numbers<[1], [0], [0], [1], [0, 0, 1, 1], [], []>, transpose_lhs_hint = false} : vector<2048x256xf32>, vector<256x1xf32>, vector<2048x1xf32> -> vector<2048x1xf32>
    %get3A_16 = arith.constant 0 : index
    %get3A_17 = arith.constant 0 : index
    %get3A_18 = vector.load %arg5[%get3A_16, %get3A_17] : memref<2048x128xf32, #tpu.memory_space<vmem>>, vector<2048x128xf32>
    %slice3A_19 = vector.extract_strided_slice %dot_general3A_5 {offsets = [512, 0], sizes = [128, 1], strides = [1, 1]} : vector<648x1xf32> to vector<128x1xf32>
    %dot_general3A_20 = arith.constant dense<0.000000e+00> : vector<2048x1xf32>
    %dot_general3A_21 = tpu.matmul %get3A_18, %slice3A_19, %dot_general3A_20 {dimension_numbers = #tpu.dot_dimension_numbers<[1], [0], [0], [1], [0, 0, 1, 1], [], []>, transpose_lhs_hint = false} : vector<2048x128xf32>, vector<128x1xf32>, vector<2048x1xf32> -> vector<2048x1xf32>
    %add3A = arith.addf %dot_general3A_15, %dot_general3A_21 : vector<2048x1xf32>
    %swap3A = arith.constant 0 : index
    %swap3A_22 = arith.constant 0 : index
    %swap3A_23 = vector.load %arg6[%swap3A, %swap3A_22] : memref<2048x1xf32, #tpu.memory_space<vmem>>, vector<2048x1xf32>
    tpu.vector_store %arg6[%swap3A, %swap3A_22], %add3A {strides = array<i32>} : memref<2048x1xf32, #tpu.memory_space<vmem>>, vector<2048x1xf32>,
    return
  }
  func.func @transform_0(%arg0: i32) -> (i32, i32) {
    %c0_i32 = arith.constant 0 : i32
    %c0_i32_0 = arith.constant 0 : i32
    %c0_i32_1 = arith.constant 0 : i32
    return %c0_i32, %c0_i32_0 : i32, i32
  }
  func.func @transform_1(%arg0: i32) -> (i32, i32) {
    %c0_i32 = arith.constant 0 : i32
    %c0_i32_0 = arith.constant 0 : i32
    %c0_i32_1 = arith.constant 0 : i32
    return %c0_i32, %c0_i32_0 : i32, i32
  }
  func.func @transform_2(%arg0: i32) -> (i32, i32) {
    %c0_i32 = arith.constant 0 : i32
    %c0_i32_0 = arith.constant 0 : i32
    %c0_i32_1 = arith.constant 0 : i32
    return %c0_i32, %c0_i32_0 : i32, i32
  }
  func.func @transform_3(%arg0: i32) -> (i32, i32) {
    %c0_i32 = arith.constant 0 : i32
    %c0_i32_0 = arith.constant 0 : i32
    return %arg0, %c0_i32 : i32, i32
  }
  func.func @transform_4(%arg0: i32) -> (i32, i32) {
    %c0_i32 = arith.constant 0 : i32
    %c0_i32_0 = arith.constant 0 : i32
    return %arg0, %c0_i32 : i32, i32
  }
  func.func @transform_5(%arg0: i32) -> (i32, i32) {
    %c0_i32 = arith.constant 0 : i32
    %c0_i32_0 = arith.constant 0 : i32
    return %arg0, %c0_i32 : i32, i32
  }
}

module attributes {stable_mosaic.version = 14 : i64} {
  func.func @_final_body(%arg0: memref<128x128xf32, #tpu.memory_space<vmem>>, %arg1: memref<128x128xf32, #tpu.memory_space<vmem>>, %arg2: memref<128x128xi32, #tpu.memory_space<vmem>>, %arg3: memref<1x1xi32, #tpu.memory_space<vmem>>) attributes {dimension_semantics = [], scalar_prefetch = 0 : i64, scratch_operands = 0 : i64, tpu.core_type = #tpu.core_type<tc>} {
    %get3A = arith.constant 0 : index
    %get3A_0 = arith.constant 0 : index
    %get3A_1 = vector.load %arg0[%get3A, %get3A_0] : memref<128x128xf32, #tpu.memory_space<vmem>>, vector<128x128xf32>
    %get3A_2 = arith.constant 0 : index
    %get3A_3 = arith.constant 0 : index
    %get3A_4 = vector.load %arg1[%get3A_2, %get3A_3] : memref<128x128xf32, #tpu.memory_space<vmem>>, vector<128x128xf32>
    %add3A = arith.addf %get3A_1, %get3A_4 : vector<128x128xf32>
    %reduce_max3A = vector.shape_cast %add3A : vector<128x128xf32> to vector<1x128x128xf32>
    %reduce_max3A_5 = arith.constant dense<0xFF800000> : vector<1xf32>
    %reduce_max3A_6 = vector.multi_reduction <maximumf>, %reduce_max3A, %reduce_max3A_5 [1, 2] : vector<1x128x128xf32> to vector<1xf32>
    %reduce_max3A_7 = vector.shape_cast %reduce_max3A_6 : vector<1xf32> to vector<1x1x1xf32>
    %reduce_max3A_8 = vector.extract %reduce_max3A_7[0, 0, 0] : f32 from vector<1x1x1xf32>
    %iota3A = tpu.iota {dimensions = array<i32: 0>} : vector<128x128xi32>
    %mul3A = arith.constant 128 : i32
    %mul3A_9 = vector.broadcast %mul3A : i32 to vector<128x128xi32>
    %mul3A_10 = arith.muli %iota3A, %mul3A_9 : vector<128x128xi32>
    %iota3A_11 = tpu.iota {dimensions = array<i32: 1>} : vector<128x128xi32>
    %add3A_12 = arith.addi %mul3A_10, %iota3A_11 : vector<128x128xi32>
    %ge3A = vector.broadcast %reduce_max3A_8 : f32 to vector<128x128xf32>
    %ge3A_13 = arith.cmpf oge, %add3A, %ge3A : vector<128x128xf32>
    %jit3A = arith.constant 1073741824 : i32
    %broadcast_in_dim3A = vector.broadcast %jit3A : i32 to vector<128x128xi32>
    %select_n3A = arith.select %ge3A_13, %add3A_12, %broadcast_in_dim3A : vector<128x128xi1>, vector<128x128xi32>
    %reduce_min3A = vector.shape_cast %select_n3A : vector<128x128xi32> to vector<1x128x128xi32>
    %reduce_min3A_14 = arith.constant dense<2147483647> : vector<1xi32>
    %reduce_min3A_15 = vector.multi_reduction <minsi>, %reduce_min3A, %reduce_min3A_14 [1, 2] : vector<1x128x128xi32> to vector<1xi32>
    %reduce_min3A_16 = vector.shape_cast %reduce_min3A_15 : vector<1xi32> to vector<1x1x1xi32>
    %reduce_min3A_17 = vector.extract %reduce_min3A_16[0, 0, 0] : i32 from vector<1x1x1xi32>
    %eq3A = vector.broadcast %reduce_min3A_17 : i32 to vector<128x128xi32>
    %eq3A_18 = arith.cmpi eq, %add3A_12, %eq3A : vector<128x128xi32>
    %get3A_19 = arith.constant 0 : index
    %get3A_20 = arith.constant 0 : index
    %get3A_21 = vector.load %arg2[%get3A_19, %get3A_20] : memref<128x128xi32, #tpu.memory_space<vmem>>, vector<128x128xi32>
    %jit3A_22 = arith.constant -2147483648 : i32
    %broadcast_in_dim3A_23 = vector.broadcast %jit3A_22 : i32 to vector<128x128xi32>
    %select_n3A_24 = arith.select %eq3A_18, %get3A_21, %broadcast_in_dim3A_23 : vector<128x128xi1>, vector<128x128xi32>
    %reduce_max3A_25 = vector.shape_cast %select_n3A_24 : vector<128x128xi32> to vector<1x128x128xi32>
    %reduce_max3A_26 = arith.constant dense<-2147483648> : vector<1xi32>
    %reduce_max3A_27 = vector.multi_reduction <maxsi>, %reduce_max3A_25, %reduce_max3A_26 [1, 2] : vector<1x128x128xi32> to vector<1xi32>
    %reduce_max3A_28 = vector.shape_cast %reduce_max3A_27 : vector<1xi32> to vector<1x1x1xi32>
    %reduce_max3A_29 = vector.extract %reduce_max3A_28[0, 0, 0] : i32 from vector<1x1x1xi32>
    %broadcast_in_dim3A_30 = vector.broadcast %reduce_max3A_29 : i32 to vector<1x1xi32>
    %swap3A = arith.constant 0 : index
    %swap3A_31 = arith.constant 0 : index
    %swap3A_32 = vector.load %arg3[%swap3A, %swap3A_31] : memref<1x1xi32, #tpu.memory_space<vmem>>, vector<1x1xi32>
    tpu.vector_store %arg3[%swap3A, %swap3A_31], %broadcast_in_dim3A_30 {strides = array<i32>} : memref<1x1xi32, #tpu.memory_space<vmem>>, vector<1x1xi32>,
    return
  }
}

</mosaic_0001>

<sc_bundles>
// kernel: kernel.5.cloned.1.call-start
scs
__scs_entry_jumppad:
0x0: {  	(pc) =	sbr.rel $0x88, $3  }
0x1: {  	(tag) =	ssettag $0x0;
	lr =	simm.s32 $0x1  }
0x2: {  	[smem:$0x3F9A] =	sst lr;
	_ =	strace $0xD0000000  }
0x3: {  	_ = 	snop  }
0x4: {  	_ = 	snop  }
0x5: {  	_ = 	snop  }
0x6: {  	_ = 	snop  }
0x7: {  	_ = 	snop  }
__scs_overlays_trampoline_lowered:
0x8: {  	[smem:$0x3FA9] =	sst s0  }
0x9: {  	[smem:$0x3FAA] =	sst s1  }
0xa: {  	[smem:$0x3FAB] =	sst s2  }
0xb: {  	[smem:$0x3FAC] =	sst s3  }
0xc: {  	[smem:$0x3FAD] =	sst s4  }
0xd: {  	[smem:$0x3FAE] =	sst s5  }
0xe: {  	[smem:$0x3FAF] =	sst s6  }
0xf: {  	[smem:$0x3FB0] =	sst s7  }
0x10: {  	[smem:$0x3FB1] =	sst s8  }
0x11: {  	[smem:$0x3FB2] =	sst s9;
	s0 =	simm.s32 @!p0 $0x0  }
0x12: {  	s1 =	sld [smem:$0x3F98];
	s0 =	simm.s32 @p0 $0x1  }
0x13: {  	[smem:$0x3FB3] =	sst s0;
	s0 =	simm.s32 @!p1 $0x0  }
0x14: {  	s2 =	sld [smem:$0x3F97];
	s0 =	simm.s32 @p1 $0x1  }
0x15: {  	[smem:$0x3FB4] =	sst s0;
	s0 =	simm.s32 @!p2 $0x0  }
0x16: {  	s3 =	sld [smem:$0x3FDB];
	s0 =	simm.s32 @p2 $0x1  }
0x17: {  	s4 =	simm.s32 $0x1BF5;
	[smem:$0x3FB6] =	sst s0  }
0x18: {  	s0 =	sld [smem:$0x3F99];
	_ =	swait.ge [sflag:s4], $0x0  }
0x19: {  	s7 =	sld [smem:$0x3F9A]  }
0x1a: {  	s8 =	sadd.s32 $0xFFFFE003, lr  }
0x1b: {  	s9 =	sadd.s32 $0xFFFFFEF7, lr;
	s5 =	simm.s32 $0xFFFFFFFF;
	p2 =	slt.u32 s8, $0xFFFFF086  }
0x1c: {  	p1 =	slt.u32 s9, $0xF7A;
	s5 =	simm.s32 @!p2 $0x0  }
0x1d: {  	s5 =	simm.s32 @p1 $0x1;
	p0 =	seq.s32 s7, s2  }
0x1e: {  	s7 =	smul.u32 @!p0 $0xF7A, s2;
	p2 =	seq.s32 @!p0 s5, $0x0  }
0x1f: {  	s9 =	smul.u32 $0xF7A, s1;
	s8 =	simm.s32 @!p0 $0x1BF5;
	p2 =	por !p2, p0  }
0x20: {  	[sflag:s8] =	ssyncset.s32 @!p0 $0xFFFFF086;
	s6 =	sadd.s32 @!p0 s3, s7;
	s7 =	simm.s32 @!p0 $0x108  }
0x21: {  	s3 =	sadd.s32 s3, s9;
	s6 =	sadd.s32 @!p0 $0x88, s6;
	s7 =	simm.s32 @p2 $0x1082  }
0x22: {  	[simem:s7], [sflag:s8] =	dma.local @!p0 [hbm:s6], $0xF7A  }
0x23: {  	s9 =	sor.u32 $0xD0000000, s2;
	s6 =	simm.s32 $0x108;
	_ =	swait.ge @!p0 [sflag:s8], $0x0  }
0x24: {  	s3 =	sadd.s32 $0x88, s3;
	s6 =	simm.s32 @!p1 $0x1082;
	[sflag:s4] =	ssyncset.s32 $0xFFFFF086  }
0x25: {  	[simem:s6], [sflag:s4] =	dma.local [hbm:s3], $0xF7A  }
0x26: {  	[smem:$0x3F9A] =	sst s1;
	(tag) =	ssettag s2;
	_ =	strace s9  }
0x27: {  	s1 =	sld [smem:$0x3FAA]  }
0x28: {  	s2 =	sld [smem:$0x3FAB]  }
0x29: {  	s4 =	sld [smem:$0x3FAD]  }
0x2a: {  	p0 =	seq.s32 s5, $0x0;
	s5 =	sld [smem:$0x3FAE]  }
0x2b: {  	s6 =	sld [smem:$0x3FAF]  }
0x2c: {  	s7 =	sld [smem:$0x3FB0]  }
0x2d: {  	s3 =	simm.s32 $0x108;
	s8 =	sld [smem:$0x3FB1]  }
0x2e: {  	s3 =	simm.s32 @!p0 $0x1082;
	s9 =	sld [smem:$0x3FB2]  }
0x2f: {  	lr =	sadd.s32 s0, s3;
	s0 =	sld [smem:$0x3FA9]  }
0x30: {  	s3 =	sld [smem:$0x3FAC]  }
0x31: {  	[smem:$0x3FB5] =	sst s10  }
0x32: {  	s10 =	sld [smem:$0x3FB3];
	_ =	sdelay $0x3  }
0x33: {  	p0 =	seq.s32 s10, $0x1;
	s10 =	sld [smem:$0x3FB5];
	_ =	sdelay $0x3  }
0x34: {  	[smem:$0x3FB5] =	sst s10  }
0x35: {  	s10 =	sld [smem:$0x3FB4];
	_ =	sdelay $0x3  }
0x36: {  	p1 =	seq.s32 s10, $0x1;
	s10 =	sld [smem:$0x3FB5];
	_ =	sdelay $0x3  }
0x37: {  	[smem:$0x3FB5] =	sst s10  }
0x38: {  	s10 =	sld [smem:$0x3FB6]  }
0x39: {  	_ = 	snop;
	(pc) =	sbr.ind lr, $3  }
0x3a: {  	_ = 	snop  }
0x3b: {  	_ = 	snop  }
0x3c: {  	p2 =	seq.s32 s10, $0x1;
	s10 =	sld [smem:$0x3FB5]  }
0x3d: {  	_ =	shalt  }
0x3e: {  	_ =	shalt  }
0x3f: {  	_ =	shalt  }
0x40: {  	_ =	shalt  }
0x41: {  	_ =	shalt  }
0x42: {  	_ =	shalt  }
0x43: {  	_ =	shalt  }
0x44: {  	_ =	shalt  }
0x45: {  	_ =	shalt  }
0x46: {  	_ =	shalt  }
0x47: {  	_ =	shalt  }
0x48: {  	_ =	shalt  }
0x49: {  	_ =	shalt  }
0x4a: {  	_ =	shalt  }
0x4b: {  	_ =	shalt  }
0x4c: {  	_ =	shalt  }
0x4d: {  	_ =	shalt  }
0x4e: {  	_ =	shalt  }
0x4f: {  	_ =	shalt  }
0x50: {  	_ =	shalt  }
0x51: {  	_ =	shalt  }
0x52: {  	_ =	shalt  }
0x53: {  	_ =	shalt  }
0x54: {  	_ =	shalt  }
0x55: {  	_ =	shalt  }
0x56: {  	_ =	shalt  }
0x57: {  	_ =	shalt  }
0x58: {  	_ =	shalt  }
0x59: {  	_ =	shalt  }
0x5a: {  	_ =	shalt  }
0x5b: {  	_ =	shalt  }
0x5c: {  	_ =	shalt  }
0x5d: {  	_ =	shalt  }
0x5e: {  	_ =	shalt  }
0x5f: {  	_ =	shalt  }
0x60: {  	_ =	shalt  }
0x61: {  	_ =	shalt  }
0x62: {  	_ =	shalt  }
0x63: {  	_ =	shalt  }
0x64: {  	_ =	shalt  }
0x65: {  	_ =	shalt  }
0x66: {  	_ =	shalt  }
0x67: {  	_ =	shalt  }
0x68: {  	_ =	shalt  }
0x69: {  	_ =	shalt  }
0x6a: {  	_ =	shalt  }
0x6b: {  	_ =	shalt  }
0x6c: {  	_ =	shalt  }
0x6d: {  	_ =	shalt  }
0x6e: {  	_ =	shalt  }
0x6f: {  	_ =	shalt  }
0x70: {  	_ =	shalt  }
0x71: {  	_ =	shalt  }
0x72: {  	_ =	shalt  }
0x73: {  	_ =	shalt  }
0x74: {  	_ =	shalt  }
0x75: {  	_ =	shalt  }
0x76: {  	_ =	shalt  }
0x77: {  	_ =	shalt  }
0x78: {  	_ =	shalt  }
0x79: {  	_ =	shalt  }
0x7a: {  	_ =	shalt  }
0x7b: {  	_ =	shalt  }
0x7c: {  	_ =	shalt  }
0x7d: {  	_ =	shalt  }
0x7e: {  	_ =	shalt  }
0x7f: {  	_ =	shalt  }
0x80: {  	_ =	shalt  }
0x81: {  	_ =	shalt  }
0x82: {  	_ =	shalt  }
0x83: {  	_ =	shalt  }
0x84: {  	_ =	shalt  }
0x85: {  	_ =	shalt  }
0x86: {  	_ =	shalt  }
0x87: {  	_ =	shalt  }
.Lfunc_end0:
.L_simem_size_0:
called_computation_lowered:
.L_overlay_start_0:
0x88: {  	s2 =	sld [smem:$0x3FD9]  }
0x89: {  	s3 =	sld [smem:$0x3FFE];
	_ =	sdelay $0x1  }
0x8a: {  	s1 =	srdreg.scid  }
0x8b: {  	s0 =	sand.u32 $0x1, s1  }
0x8c: {  	s17 =	sshll.u32 s0, $0xA;
	s2 =	sadd.s32 s3, s2  }
0x8d: {  	s2 =	sadd.s32 s2, s17  }
0x8e: {  	[smem:$0x3FC1] =	sst s2  }
0x8f: {  	_ = 	snop  }
0x90: {  	s2 =	sld [smem:$0x3FC9]  }
0x91: {  	s18 =	sld [smem:$0x3FC6]  }
0x92: {  	s4 =	sld [smem:$0x3FC4]  }
0x93: {  	s5 =	sld [smem:$0x3FD0];
	(tm) =	ssettm $0x1  }
0x94: {  	s6 =	sld [smem:$0x3FFB];
	_ =	sdelay $0x3  }
0x95: {  	_ =	strace s6  }
0x96: {  	s6 =	sld [smem:$0x3FFC];
	_ =	sdelay $0x3  }
0x97: {  	_ =	strace s6  }
0x98: {  	s6 =	sld [smem:$0x3FFD];
	_ =	sdelay $0x3  }
0x99: {  	_ =	strace s6  }
0x9a: {  	_ =	strace $0x8FFFFFFF  }
0x9b: {  	s19 =	sld [smem:$0x3FDB];
	_ =	sdelay $0x1  }
0x9c: {  	s7 =	simm.s32 $_scs_section_size  }
0x9d: {  	s8 =	simm.s32 $_size__tile_overlayer_lowered;
	s9 =	simm.s32 $_tile_overlayer_lowered  }
0x9e: {  	s22 =	simm.s32 $0x1BFF;
	s21 =	sshll.u32 s9, $0x1;
	s6 =	sadd.s32 s7, s19  }
0x9f: {  	s10 =	simm.s32 $0x0;
	s20 =	sshll.u32 s8, $0x1;
	s8 =	sadd.s32 s21, s6  }
0xa0: {  	[timem:s10], [sflag:s22] =	dma.local [hbm:s8], s20  }
0xa1: {  	_ =	swait.ge [sflag:s22], s20  }
0xa2: {  	s7 =	ssub.s32 $0x0, s20;
	[sflag:s22] =	ssyncset.done $0x0  }
0xa3: {  	[sflag:s22] =	ssyncadd.s32 s7;
	_ =	sdelay $0x1  }
0xa4: {  	s23 =	simm.s32 $0x1B8B  }
0xa5: {  	_ =	swait.ge [sflag:s23], $0x1  }
0xa6: {  	[sflag:s23] =	ssyncset.done $0x0  }
0xa7: {  	s25 =	simm.s32 $0x1B8E;
	s24 =	sld [smem:$0x3FFE];
	[sflag:s23] =	ssyncadd.s32 $0xFFFFFFFF  }
0xa8: {  	s26 =	simm.s32 $execute0_lowered;
	[smem:$0x3FD2] =	sst s25  }
0xa9: {  	s8 =	sshll.u32 s26, $0x1;
	_ =	strace $0x80000046;
	[dreg:$0x1] =	wrdreg $0xFFFFFFFF  }
0xaa: {  	s28 =	simm.s32 $_size_execute0_lowered;
	s6 =	sadd.s32 s6, s8;
	[dreg:$0x0] =	wrdreg $0x0  }
0xab: {  	s8 =	sshll.u32 s28, $0x1;
	[dreg:$0x2] =	wrdreg s6  }
0xac: {  	[dreg:$0x3] =	wrdreg s8  }
0xad: {  	[dreg:$0x4] =	wrdreg $0xC0  }
0xae: {  	_ =	task [dreg:s10], $0x5FFFF  }
0xaf: {  	[dreg:$0x1] =	wrdreg $0xFFFFFFFF  }
0xb0: {  	[dreg:$0x0] =	wrdreg $0x60  }
0xb1: {  	[dreg:$0x2] =	wrdreg s2  }
0xb2: {  	[dreg:$0x3] =	wrdreg s18  }
0xb3: {  	[dreg:$0x4] =	wrdreg s4  }
0xb4: {  	[dreg:$0x5] =	wrdreg s5  }
0xb5: {  	[dreg:$0x6] =	wrdreg s24  }
0xb6: {  	[dreg:$0x7] =	wrdreg $0x9  }
0xb7: {  	_ =	task.clear_ibuf [dreg:s10], $0x8FFFF;
	_ =	strace $0x90000046  }
0xb8: {  	s29 =	simm.s32 $0x9;
	_ =	strace $0x80000048  }
0xb9: {  	_ =	swait.ge [sflag:s29], $0x1  }
0xba: {  	[sflag:s29] =	ssyncadd.s32 $0xFFFFFFFF  }
0xbb: {  	_ =	strace $0x90000048  }
0xbc: {  	_ =	sfence  }
0xbd: {  	s30 =	sld [smem:$0x0];
	_ =	sdelay $0x2  }
0xbe: {  	s31 =	sshll.u32 s1, $0xD;
	s1 =	sshrl.u32 s1, $0x2  }
0xbf: {  	s3 =	sand.u32 $0x4000, s31;
	s1 =	sadd.s32 s1, s30  }
0xc0: {  	s0 =	sor.u32 s3, s0;
	s1 =	sshll.u32 s1, $0x11  }
0xc1: {  	s0 =	sor.u32 s1, s0  }
0xc2: {  	s0 =	sadd.s32 $0x8F2B, s0  }
0xc3: {  	[sflag:s0] =	ssyncadd.remote.s32 $0x1  }
0xc4: {  	_ =	sfence.sel $0xFFFF  }
0xc5: {  	[dreg:$0x0] =	wrdreg $0xFFFFFFFF;
	(pc) =	sbr.abs _section_cstart, $3  }
0xc6: {  	[dreg:$0x1] =	wrdreg $0xFFFFFFFF  }
0xc7: {  	_ =	task.clear_ibuf [dreg:s10], $0x2FFFF;
	_ =	strace $0x9FFFFFFF  }
0xc8: {  	(tm) =	ssettm $0x7FFFFFFF  }
0xc9: {  	_ =	shalt  }
tec
execute0_lowered:
.L_overlay_start_1:
0x0: {  	(tag) =	ssettag $0x1  }
0x1: {  	s6 =	rddreg [dreg:$0x0]  }
0x2: {  	s1 =	rddreg [dreg:$0x1]  }
0x3: {  	s2 =	rddreg [dreg:$0x2]  }
0x4: {  	s3 =	rddreg [dreg:$0x3]  }
0x5: {  	s5 =	rddreg [dreg:$0x4]  }
0x6: {  	s0 =	rddreg [dreg:$0x5]  }
0x7: {  	s4 =	simm.s32 $0x0;
	s7 =	srdreg.scid;
	s12 =	simm.s32 $0x1A80  }
0x8: {  	s13 =	simm.s32 $0x1800;
	s14 =	simm.s32 $0x1;
	s15 =	simm.s32 $0x1900  }
0x9: {  	s16 =	simm.s32 $0x5A80;
	s17 =	simm.s32 $0x9A80;
	s18 =	simm.s32 $0x2  }
0xa: {  	s19 =	simm.s32 $0x1980;
	s20 =	simm.s32 $0x1A00;
	s7 =	sand.u32 $0x1, s7  }
0xb: {  	s21 =	simm.s32 $0x0;
	[smem:$0x7FF] =	sst s4;
	s8 =	sshll.u32 s7, $0x6  }
0xc: {  	_ =	strace $0x80000047;
	s7 =	ssub.s32 $0x2, s7;
	s9 =	sadd.s32 s8, s5  }
0xd: {  	s5 =	stileid.u32;
	s10 =	sshrl.u32 s7, $0x1;
	s6 =	sadd.s32 s6, s8  }
0xe: {  	s11 =	sshll.u32 s5, $0x7;
	s30 =	ssub.s32 s7, s10;
	s10 =	simm.s32 $0x3  }
0xf: {  	v0 =	vimm.s32 $0x1;
	s6 =	sadd.s32 s11, s6;
	s31 =	sadd.s32 s11, s9;
	s8 =	smax.u32 s30, $0x1  }
0x10: {  	v1 =	vimm.s32 $0x2;
	v2 =	vimm.s32 $0x3;
	v3 =	vimm.s32 $0x4;
	s9 =	simm.s32 $0x1880;
	s11 =	simm.s32 $0x80;
	s7 =	sadd.s32 $0xC00, s31  }
.LBB2_1:
0x11: {  	[tilespmem:s9], [sflag:$0x3] =	stream.linear.gather [hbm4b:s6+s4], $0x200, $0x38;
	[tilespmem:$0x9C80] =	vst v63  }
0x12: {  	_ =	swait.ge [sflag:s10], $0x200  }
0x13: {  	[sflag:s10] =	ssyncset.done $0x0  }
0x14: {  	[sflag:s10] =	ssyncadd.s32 $0xFFFFFE00  }
0x15: {  	[tilespmem:s12], [sflag:$0x1] =	stream.indirect.gather [hbm4b:s1+s11], $0x80, s9, s11, $0xb8;
	[tilespmem:$0x9C80] =	vst v63  }
0x16: {  	_ = 	snop  }
0x17: {  	[tilespmem:s4], [sflag:$0x3] =	stream.linear.gather [hbm4b:s2+s4], $0x1800, $0x38;
	[tilespmem:$0x9C80] =	vst v63  }
0x18: {  	_ =	swait.ge [sflag:s10], $0x1800  }
0x19: {  	[sflag:s10] =	ssyncset.done $0x0  }
0x1a: {  	[sflag:s10] =	ssyncadd.s32 $0xFFFFE800  }
0x1b: {  	[tilespmem:s13], [sflag:$0x3] =	stream.linear.gather [hbm4b:s3+s4], $0x80, $0x38;
	[tilespmem:$0x9C80] =	vst v63  }
0x1c: {  	_ =	swait.ge [sflag:s10], $0x80  }
0x1d: {  	[sflag:s10] =	ssyncset.done $0x0  }
0x1e: {  	[sflag:s10] =	ssyncadd.s32 $0xFFFFFF80  }
0x1f: {  	v8 =	vld.msk [tilespmem:s13+$0x0], $0xffff  }
0x20: {  	v4 =	vld [tilespmem:$0x800]  }
0x21: {  	v9 =	vld.idx.msk [tilespmem:v0+s13+$0x0], $0xffff  }
0x22: {  	v5 =	vld [tilespmem:$0x880]  }
0x23: {  	v10 =	vld.idx.msk [tilespmem:v1+s13+$0x0], $0xffff  }
0x24: {  	v6 =	vld [tilespmem:$0x900]  }
0x25: {  	v11 =	vld.idx.msk [tilespmem:v2+s13+$0x0], $0xffff  }
0x26: {  	v7 =	vld [tilespmem:$0x980]  }
0x27: {  	v12 =	vld.idx.msk [tilespmem:v3+s13+$0x0], $0xffff  }
0x28: {  	v13 =	vld [tilespmem:$0xA00]  }
0x29: {  	v14 =	vld [tilespmem:$0x810]  }
0x2a: {  	v15 =	vld [tilespmem:$0x890]  }
0x2b: {  	v16 =	vld [tilespmem:$0x910]  }
0x2c: {  	v17 =	vld [tilespmem:$0x990]  }
0x2d: {  	v18 =	vld [tilespmem:$0xA10]  }
0x2e: {  	v19 =	vld [tilespmem:$0x820]  }
0x2f: {  	v20 =	vld [tilespmem:$0x8A0]  }
0x30: {  	v21 =	vld [tilespmem:$0x920]  }
0x31: {  	v22 =	vld [tilespmem:$0x9A0]  }
0x32: {  	v23 =	vld [tilespmem:$0xA20]  }
0x33: {  	v24 =	vld [tilespmem:$0x830]  }
0x34: {  	v25 =	vld [tilespmem:$0x8B0]  }
0x35: {  	v26 =	vld [tilespmem:$0x930]  }
0x36: {  	v27 =	vld [tilespmem:$0x9B0]  }
0x37: {  	v28 =	vld [tilespmem:$0xA30]  }
0x38: {  	v29 =	vld [tilespmem:$0x840]  }
0x39: {  	v30 =	vld [tilespmem:$0x8C0]  }
0x3a: {  	v31 =	vld [tilespmem:$0x940]  }
0x3b: {  	v32 =	vld [tilespmem:$0x9C0]  }
0x3c: {  	v33 =	vld [tilespmem:$0xA40]  }
0x3d: {  	v34 =	vld [tilespmem:$0x850]  }
0x3e: {  	v35 =	vld [tilespmem:$0x8D0]  }
0x3f: {  	v36 =	vld [tilespmem:$0x950]  }
0x40: {  	v37 =	vld [tilespmem:$0x9D0]  }
0x41: {  	v38 =	vld [tilespmem:$0xA50];
	v4 =	vmul.f32 v4, v8;
	v5 =	vmul.f32 v5, v9  }
0x42: {  	v39 =	vld [tilespmem:$0x860];
	v14 =	vmul.f32 v14, v8;
	v15 =	vmul.f32 v15, v9  }
0x43: {  	v40 =	vld [tilespmem:$0x8E0];
	v4 =	vadd.f32 v5, v4;
	v5 =	vmul.f32 v6, v10;
	v6 =	vmul.f32 v7, v11  }
0x44: {  	v41 =	vld [tilespmem:$0x960];
	v7 =	vadd.f32 v15, v14;
	v14 =	vmul.f32 v16, v10;
	v15 =	vmul.f32 v17, v11  }
0x45: {  	v42 =	vld [tilespmem:$0x9E0];
	v17 =	vmul.f32 v20, v9;
	v4 =	vadd.f32 v5, v4;
	v5 =	vmul.f32 v19, v8  }
0x46: {  	v43 =	vld [tilespmem:$0xA60];
	v20 =	vmul.f32 v25, v9;
	v7 =	vadd.f32 v14, v7;
	v14 =	vmul.f32 v24, v8  }
0x47: {  	v16 =	vld [tilespmem:$0x870];
	v4 =	vadd.f32 v6, v4;
	v5 =	vadd.f32 v17, v5;
	v6 =	vmul.f32 v21, v10  }
0x48: {  	v19 =	vld [tilespmem:$0x8F0];
	v7 =	vadd.f32 v15, v7;
	v14 =	vadd.f32 v20, v14;
	v15 =	vmul.f32 v26, v10  }
0x49: {  	v24 =	vld [tilespmem:$0x970];
	v5 =	vadd.f32 v6, v5;
	v6 =	vmul.f32 v13, v12  }
0x4a: {  	v17 =	vld [tilespmem:$0x9F0];
	v13 =	vmul.f32 v22, v11;
	v14 =	vadd.f32 v15, v14;
	v15 =	vmul.f32 v18, v12  }
0x4b: {  	v25 =	vmul.f32 v39, v8;
	v20 =	vld [tilespmem:$0xA70];
	_ =	swait.ge [sflag:s14], $0x4000;
	v18 =	vmul.f32 v27, v11;
	v4 =	vadd.f32 v6, v4  }
0x4c: {  	[sflag:s14] =	ssyncset.done $0x0;
	v6 =	vadd.f32 v13, v5;
	v13 =	vmul.f32 v23, v12;
	v5 =	vadd.f32 v15, v7  }
0x4d: {  	s22 =	simm.s32 $0x1B00;
	[sflag:s14] =	ssyncadd.s32 $0xFFFFC000;
	v7 =	vadd.f32 v18, v14;
	v14 =	vmul.f32 v28, v12;
	v15 =	vmul.f32 v30, v9  }
0x4e: {  	[tilespmem:s16], [sflag:$0x2] =	stream.indirect.gather [hbm4b:s1+s11], $0x80, s15, s11, $0xb8;
	v18 =	vmul.f32 v35, v9;
	v6 =	vadd.f32 v13, v6;
	v13 =	vmul.f32 v29, v8;
	[tilespmem:$0x9C80] =	vst v63  }
0x4f: {  	v7 =	vadd.f32 v14, v7;
	v14 =	vmul.f32 v34, v8;
	v8 =	vmul.f32 v16, v8;
	v16 =	vld [tilespmem:s22+$0x30]  }
0x50: {  	v13 =	vadd.f32 v15, v13;
	v15 =	vmul.f32 v31, v10  }
0x51: {  	v21 =	vld [tilespmem:s22+$0x0];
	v14 =	vadd.f32 v18, v14;
	v18 =	vmul.f32 v36, v10  }
0x52: {  	v22 =	vmul.f32 v32, v11;
	v23 =	vld [tilespmem:s22+$0x10];
	v13 =	vadd.f32 v15, v13  }
0x53: {  	v26 =	vld [tilespmem:s22+$0x20];
	v15 =	vmul.f32 v40, v9;
	v14 =	vadd.f32 v18, v14;
	v18 =	vmul.f32 v37, v11  }
0x54: {  	v9 =	vmul.f32 v19, v9;
	v19 =	vld [tilespmem:s22+$0x40];
	v16 =	vmul.f32 v16, v7  }
0x55: {  	v13 =	vadd.f32 v22, v13;
	v15 =	vadd.f32 v15, v25;
	v22 =	vmul.f32 v41, v10;
	v25 =	vld [tilespmem:s22+$0x50]  }
0x56: {  	v14 =	vadd.f32 v18, v14;
	v8 =	vadd.f32 v9, v8;
	v9 =	vmul.f32 v24, v10;
	v18 =	vld [tilespmem:s22+$0x60]  }
0x57: {  	v10 =	vmul.f32 v33, v12;
	v24 =	vld [tilespmem:s22+$0x70];
	v15 =	vadd.f32 v22, v15;
	v22 =	vmul.f32 v42, v11  }
0x58: {  	v27 =	vadd.f32 v9, v8;
	v9 =	vmul.f32 v38, v12;
	v11 =	vmul.f32 v17, v11;
	v17 =	vld [tilespmem:s22+$0xFFFFFF90]  }
0x59: {  	v8 =	vadd.f32 v10, v13;
	v13 =	vmul.f32 v43, v12;
	v10 =	vadd.f32 v22, v15;
	v15 =	vld [tilespmem:s22+$0xFFFFFFA0]  }
0x5a: {  	v12 =	vmul.f32 v20, v12;
	v9 =	vadd.f32 v9, v14;
	v11 =	vadd.f32 v11, v27;
	v14 =	vld [tilespmem:s22+$0xFFFFFFB0]  }
0x5b: {  	v20 =	vmul.f32 v23, v5;
	v22 =	vld [tilespmem:s22+$0xFFFFFFD0];
	v19 =	vmul.f32 v19, v8  }
0x5c: {  	v10 =	vadd.f32 v13, v10;
	v13 =	vmul.f32 v21, v4;
	v21 =	vld [tilespmem:s22+$0xFFFFFFC0];
	v11 =	vadd.f32 v12, v11  }
0x5d: {  	v12 =	vmul.f32 v26, v6;
	v23 =	vmul.f32 v25, v9;
	v25 =	vld [tilespmem:s22+$0xFFFFFFE0]  }
0x5e: {  	v26 =	vld [tilespmem:s22+$0xFFFFFFF0];
	v18 =	vmul.f32 v18, v10;
	v24 =	vmul.f32 v24, v11  }
0x5f: {  	s30 =	simm.s32 $0x1C00;
	v13 =	vadd.f32 v20, v13;
	v12 =	vadd.f32 v16, v12;
	v16 =	vld [tilespmem:s22+$0xFFFFFF80]  }
0x60: {  	v17 =	vmul.f32 v17, v5;
	v19 =	vadd.f32 v23, v19;
	v20 =	vld [tilespmem:s30+$0x0];
	v18 =	vadd.f32 v24, v18  }
0x61: {  	v23 =	vld [tilespmem:s30+$0x10];
	v15 =	vmul.f32 v15, v6;
	v14 =	vmul.f32 v14, v7  }
0x62: {  	v12 =	vadd.f32 v12, v13;
	v24 =	vld [tilespmem:s30+$0x30];
	v21 =	vmul.f32 v21, v8;
	v13 =	vadd.f32 v18, v19  }
0x63: {  	v18 =	vld [tilespmem:s30+$0x20];
	v19 =	vmul.f32 v22, v9;
	v22 =	vmul.f32 v25, v10  }
0x64: {  	v25 =	vld [tilespmem:s30+$0x40];
	v16 =	vmul.f32 v16, v4;
	v12 =	vadd.f32 v13, v12;
	v13 =	vmul.f32 v26, v11  }
0x65: {  	v14 =	vadd.f32 v14, v15;
	v15 =	vadd.f32 v19, v21;
	v19 =	vld [tilespmem:s30+$0x50]  }
0x66: {  	v16 =	vadd.f32 v17, v16;
	v17 =	vld [tilespmem:s30+$0x70];
	(xrf2) =	vadd.scan.msk.f32 $0xffff, v12;
	v12 =	vadd.f32 v13, v22  }
0x67: {  	v13 =	vld [tilespmem:s30+$0x60]  }
0x68: {  	v14 =	vadd.f32 v14, v16;
	v12 =	vadd.f32 v12, v15;
	v15 =	vld [tilespmem:s30+$0xFFFFFF90]  }
0x69: {  	v20 =	vmul.f32 v20, v4;
	v18 =	vmul.f32 v18, v6  }
0x6a: {  	v27 =	vld [tilespmem:s30+$0xFFFFFFF0];
	v12 =	vadd.f32 v12, v14;
	v14 =	vmul.f32 v23, v5;
	v23 =	vmul.f32 v24, v7  }
0x6b: {  	v22 =	vld [tilespmem:s30+$0xFFFFFFC0];
	v24 =	vmul.f32 v25, v8;
	v17 =	vmul.f32 v17, v11  }
0x6c: {  	v16 =	vld [tilespmem:s30+$0xFFFFFFA0];
	v13 =	vmul.f32 v13, v10;
	(xrf2) =	vadd.scan.msk.f32 $0xffff, v12;
	v12 =	vmul.f32 v19, v9  }
0x6d: {  	v21 =	vld [tilespmem:s30+$0xFFFFFFB0];
	v18 =	vadd.f32 v23, v18;
	v26 =	vmul.f32 v15, v5;
	v15 =	vadd.f32 v14, v20  }
0x6e: {  	v25 =	vld [tilespmem:s30+$0xFFFFFFD0];
	v17 =	vadd.f32 v17, v13;
	v12 =	vadd.f32 v12, v24  }
0x6f: {  	v19 =	vld [tilespmem:s30+$0xFFFFFFE0]  }
0x70: {  	s23 =	simm.s32 $0x1D00;
	v27 =	vmul.f32 v27, v11;
	v20 =	vld [tilespmem:s30+$0xFFFFFF80];
	v18 =	vadd.f32 v18, v15;
	v12 =	vadd.f32 v17, v12  }
0x71: {  	s31 =	simm.s32 $0x1;
	v22 =	vmul.f32 v22, v8;
	v16 =	vmul.f32 v16, v6;
	v13 =	vld [tilespmem:s23+$0x0]  }
0x72: {  	v23 =	vmov s31;
	v15 =	vld [tilespmem:s23+$0x20];
	v14, _, _ =	vpop (xrf2);
	v63 =	vadd.f32 v12, v18;
	v12 =	vmov s4  }
0x73: {  	v25 =	vmul.f32 v25, v9;
	v17 =	vld [tilespmem:s23+$0x30];
	v24 =	vbroadcast v14, $0xF;
	v12 =	vand.u32 $0xFFFFFFFE, v12  }
0x74: {  	v14 =	vld [tilespmem:s23+$0x10];
	v19 =	vmul.f32 v19, v10;
	v12 =	vbroadcast v12, $0x0  }
0x75: {  	v21 =	vmul.f32 v21, v7;
	v25 =	vadd.f32 v25, v22;
	v18 =	vld [tilespmem:s23+$0x40];
	v22 =	vmul.f32 v20, v4;
	(xrf2) =	vadd.scan.msk.f32 $0xffff, v63  }
0x76: {  	v20 =	vld [tilespmem:s23+$0x50];
	v27 =	vadd.f32 v27, v19  }
0x77: {  	v19 =	vadd.f32 v21, v16;
	[tilespmem:v23+s17+$0x0] =	vst.idx.msk $0x1, v24;
	v21 =	vld [tilespmem:s23+$0x60];
	v24 =	vadd.f32 v26, v22;
	v16, _, _ =	vpop (xrf2)  }
0x78: {  	s24 =	simm.s32 $0x2;
	s25 =	simm.s32 $0x6;
	s22 =	simm.s32 $0x4;
	v22 =	vld [tilespmem:s23+$0x70];
	v23 =	vadd.f32 v27, v25;
	v16 =	vbroadcast v16, $0xF  }
.LBB2_2:
0x79: {  	p0 =	slt.u32 s25, $0x7E;
	v25 =	vld [tilespmem:s23+$0xFFFFFF90];
	v19 =	vadd.f32 v19, v24  }
0x7a: {  	v13 =	vmul.f32 v13, v4;
	v14 =	vmul.f32 v14, v5;
	v24 =	vld [tilespmem:s23+$0xFFFFFFA0];
	[tilespmem:v12+s17+$0x0] =	vst.idx.msk $0x1, v16  }
0x7b: {  	v15 =	vmul.f32 v15, v6;
	v16 =	vmul.f32 v17, v7;
	v12 =	vld [tilespmem:s23+$0xFFFFFFB0];
	v17 =	vadd.f32 v23, v19  }
0x7c: {  	s26 =	sadd.s32 $0x1, s24;
	v18 =	vmul.f32 v18, v8;
	v20 =	vmul.f32 v20, v9;
	v19 =	vld [tilespmem:s23+$0xFFFFFFC0]  }
0x7d: {  	v26 =	vmov s26;
	v21 =	vmul.f32 v21, v10;
	v23 =	vld [tilespmem:s23+$0xFFFFFFD0];
	v22 =	vmul.f32 v22, v11;
	(xrf2) =	vadd.scan.msk.f32 $0xffff, v17  }
0x7e: {  	v14 =	vadd.f32 v14, v13;
	v15 =	vadd.f32 v16, v15;
	v25 =	vmul.f32 v25, v5;
	v17 =	vld [tilespmem:s23+$0xFFFFFFE0]  }
0x7f: {  	v18 =	vadd.f32 v20, v18;
	v16 =	vmul.f32 v24, v6;
	v24 =	vld [tilespmem:s23+$0xFFFFFFF0];
	v20 =	vadd.f32 v22, v21;
	v13, _, _ =	vpop (xrf2)  }
0x80: {  	v21 =	vld [tilespmem:s23+$0xFFFFFF80];
	v12 =	vmul.f32 v12, v7;
	s23 =	sadd.s32 $0x100, s23;
	v22 =	vbroadcast v13, $0xF  }
0x81: {  	v28 =	vadd.f32 v15, v14;
	v13 =	vld [tilespmem:s23+$0x0];
	v27 =	vmul.f32 v19, v8;
	v18 =	vadd.f32 v20, v18  }
0x82: {  	v14 =	vld [tilespmem:s23+$0x10];
	v20 =	vmul.f32 v23, v9;
	v19 =	vadd.f32 v12, v16;
	v12 =	vmov s24;
	[tilespmem:v26+s17+$0x0] =	vst.idx.msk $0x1, v22;
	s24 =	smov.u32 s22;
	s22 =	smov.u32 s25  }
0x83: {  	v15 =	vld [tilespmem:s23+$0x20];
	v16 =	vmul.f32 v17, v10;
	v22 =	vadd.f32 v18, v28;
	v12 =	vand.u32 $0xFFFFFFFE, v12  }
.Ltmp0:
0x84: {  	v17 =	vld [tilespmem:s23+$0x30];
	v23 =	vmul.f32 v24, v11;
	v26 =	vadd.f32 v20, v27;
	v12 =	vbroadcast v12, $0x0;
	(pc) =	sbr.rel @p0 .LBB2_2-.Ltmp0, $4  }
0x85: {  	v18 =	vld [tilespmem:s23+$0x40];
	v24 =	vmul.f32 v21, v4;
	(xrf2) =	vadd.scan.msk.f32 $0xffff, v22  }
0x86: {  	v20 =	vld [tilespmem:s23+$0x50];
	v16 =	vadd.f32 v23, v16  }
0x87: {  	v21 =	vld [tilespmem:s23+$0x60];
	v24 =	vadd.f32 v25, v24;
	v25, _, _ =	vpop (xrf2)  }
0x88: {  	s25 =	sadd.s32 $0x2, s25;
	v22 =	vld [tilespmem:s23+$0x70];
	v23 =	vadd.f32 v16, v26;
	v16 =	vbroadcast v25, $0xF  }
0x89: {  	v25 =	vld [tilespmem:s23+$0xFFFFFF90]  }
0x8a: {  	v26 =	vld [tilespmem:s23+$0xFFFFFFA0]  }
0x8b: {  	v27 =	vld [tilespmem:s23+$0xFFFFFFB0]  }
0x8c: {  	v28 =	vld [tilespmem:s23+$0xFFFFFFC0]  }
0x8d: {  	v29 =	vld [tilespmem:s23+$0xFFFFFFD0]  }
0x8e: {  	v13 =	vmul.f32 v13, v4;
	v14 =	vmul.f32 v14, v5;
	v30 =	vld [tilespmem:s23+$0xFFFFFFE0]  }
0x8f: {  	v19 =	vadd.f32 v19, v24;
	v15 =	vmul.f32 v15, v6;
	v17 =	vmul.f32 v17, v7;
	v24 =	vld [tilespmem:s23+$0xFFFFFFF0]  }
0x90: {  	v31 =	vld [tilespmem:s23+$0xFFFFFF80];
	v18 =	vmul.f32 v18, v8;
	v20 =	vmul.f32 v20, v9  }
0x91: {  	v19 =	vadd.f32 v23, v19;
	v21 =	vmul.f32 v21, v10;
	v22 =	vmul.f32 v22, v11  }
0x92: {  	v13 =	vadd.f32 v14, v13;
	v14 =	vmul.f32 v25, v5;
	v23 =	vmul.f32 v26, v6  }
0x93: {  	v15 =	vadd.f32 v17, v15;
	v17 =	vmul.f32 v27, v7;
	v25 =	vmul.f32 v28, v8  }
0x94: {  	v18 =	vadd.f32 v20, v18;
	v20 =	vmul.f32 v29, v9;
	v26 =	vmul.f32 v30, v10  }
0x95: {  	v21 =	vadd.f32 v22, v21;
	v22 =	vmul.f32 v24, v11;
	v24 =	vmul.f32 v31, v4  }
0x96: {  	v17 =	vadd.f32 v17, v23;
	v20 =	vadd.f32 v20, v25  }
0x97: {  	v22 =	vadd.f32 v22, v26;
	v14 =	vadd.f32 v14, v24  }
0x98: {  	v13 =	vadd.f32 v15, v13;
	v15 =	vadd.f32 v21, v18  }
0x99: {  	v18 =	vadd.f32 v22, v20;
	v14 =	vadd.f32 v17, v14  }
0x9a: {  	v13 =	vadd.f32 v15, v13  }
0x9b: {  	(xrf2) =	vadd.scan.msk.f32 $0xffff, v19;
	v14 =	vadd.f32 v18, v14  }
0x9c: {  	(xrf2) =	vadd.scan.msk.f32 $0xffff, v13  }
0x9d: {  	(xrf2) =	vadd.scan.msk.f32 $0xffff, v14;
	_ =	sdelay $0x2  }
0x9e: {  	v13 =	vmov s24  }
0x9f: {  	s28 =	sadd.s32 $0x1, s24;
	v13 =	vand.u32 $0xFFFFFFFE, v13  }
0xa0: {  	v15 =	vmov s22;
	v14 =	vmov s28;
	v13 =	vbroadcast v13, $0x0  }
0xa1: {  	s29 =	sadd.s32 $0x1, s22;
	v15 =	vand.u32 $0xFFFFFFFE, v15  }
0xa2: {  	v17, _, _ =	vpop (xrf2);
	v18 =	vmov s29;
	v15 =	vbroadcast v15, $0x0  }
0xa3: {  	v17 =	vbroadcast v17, $0xF;
	v19, _, _ =	vpop (xrf2)  }
0xa4: {  	[tilespmem:v12+s17+$0x0] =	vst.idx.msk $0x1, v16;
	v12 =	vbroadcast v19, $0xF;
	v16, _, _ =	vpop (xrf2)  }
0xa5: {  	[tilespmem:v14+s17+$0x0] =	vst.idx.msk $0x1, v17;
	v14 =	vbroadcast v16, $0xF;
	v16, _, _ =	vpop (xrf2)  }
0xa6: {  	[tilespmem:v13+s17+$0x0] =	vst.idx.msk $0x1, v12;
	v12 =	vbroadcast v16, $0xF  }
0xa7: {  	[tilespmem:v18+s17+$0x0] =	vst.idx.msk $0x1, v14  }
0xa8: {  	[tilespmem:v15+s17+$0x0] =	vst.idx.msk $0x1, v12  }
0xa9: {  	_ =	swait.ge [sflag:s18], $0x4000  }
0xaa: {  	[sflag:s18] =	ssyncset.done $0x0  }
0xab: {  	s30 =	simm.s32 $0x5B00;
	[sflag:s18] =	ssyncadd.s32 $0xFFFFC000  }
0xac: {  	[tilespmem:s12], [sflag:$0x1] =	stream.indirect.gather [hbm4b:s1+s11], $0x80, s19, s11, $0xb8;
	[tilespmem:$0x9C80] =	vst v63  }
0xad: {  	v12 =	vld [tilespmem:s30+$0x0]  }
0xae: {  	v13 =	vld [tilespmem:s30+$0x10]  }
0xaf: {  	v14 =	vld [tilespmem:s30+$0x20]  }
0xb0: {  	v15 =	vld [tilespmem:s30+$0x30]  }
0xb1: {  	v16 =	vld [tilespmem:s30+$0x40]  }
0xb2: {  	v17 =	vld [tilespmem:s30+$0x50]  }
0xb3: {  	v18 =	vld [tilespmem:s30+$0x60]  }
0xb4: {  	v19 =	vld [tilespmem:s30+$0x70]  }
0xb5: {  	v20 =	vld [tilespmem:s30+$0xFFFFFF90]  }
0xb6: {  	v22 =	vld [tilespmem:s30+$0xFFFFFFA0]  }
0xb7: {  	v24 =	vld [tilespmem:s30+$0xFFFFFFB0];
	v12 =	vmul.f32 v12, v4;
	v21 =	vmul.f32 v13, v5  }
0xb8: {  	p1 =	por $0x1, $0x1;
	v23 =	vmul.f32 v14, v6;
	v25 =	vmul.f32 v15, v7  }
.Ltmp1:
0xb9: {  	v15 =	vld [tilespmem:s30+$0xFFFFFFC0];
	v26 =	vmul.f32 v16, v8;
	v27 =	vmul.f32 v17, v9;
	(pc) =	sbr.rel @!p1 .LBB2_4-.Ltmp1, $4  }
0xba: {  	s31 =	simm.s32 $0x80;
	v16 =	vld [tilespmem:s30+$0xFFFFFFD0];
	v18 =	vmul.f32 v18, v10;
	v63 =	vmul.f32 v19, v11  }
0xbb: {  	v13 =	vmov s31;
	v14 =	vmul.f32 v20, v5;
	v17 =	vld [tilespmem:s30+$0xFFFFFFE0];
	v19 =	vmul.f32 v22, v6  }
0xbc: {  	v20 =	vld [tilespmem:s30+$0xFFFFFFF0];
	v24 =	vmul.f32 v24, v7;
	v21 =	vadd.f32 v21, v12;
	v23 =	vadd.f32 v25, v23  }
0xbd: {  	s23 =	simm.s32 $0x5C00;
	p0 =	por $0x0, $0x0;
	s22 =	simm.s32 $0x81;
	v22 =	vld [tilespmem:s30+$0xFFFFFF80];
	v13 =	vand.u32 $0xFFFFFFFE, v13;
	v25 =	vadd.f32 v27, v26;
	v26 =	vadd.f32 v63, v18  }
0xbe: {  	_ = 	snop  }
0xbf: {  	v12 =	vadd.f32 v23, v21;
	v21 =	vadd.f32 v26, v25;
	_ =	sdelay $0x1  }
0xc0: {  	v18 =	vld [tilespmem:s23+$0x0];
	v12 =	vadd.f32 v21, v12  }
0xc1: {  	v23 =	vld [tilespmem:s23+$0x10]  }
0xc2: {  	v15 =	vmul.f32 v15, v8;
	v27 =	vld [tilespmem:s23+$0x50];
	v16 =	vmul.f32 v16, v9;
	(xrf2) =	vadd.scan.msk.f32 $0xffff, v12  }
0xc3: {  	v25 =	vld [tilespmem:s23+$0x20];
	v17 =	vmul.f32 v17, v10  }
0xc4: {  	v26 =	vld [tilespmem:s23+$0x40];
	v20 =	vmul.f32 v20, v11;
	v15 =	vadd.f32 v16, v15;
	v16 =	vmul.f32 v22, v4  }
0xc5: {  	v19 =	vadd.f32 v24, v19;
	v21 =	vld [tilespmem:s23+$0x30]  }
0xc6: {  	v22 =	vld [tilespmem:s23+$0x70];
	v17 =	vadd.f32 v20, v17;
	v12 =	vbroadcast v13, $0x0;
	v13 =	vadd.f32 v14, v16  }
0xc7: {  	v20 =	vld [tilespmem:s23+$0x60];
	v28 =	vmul.f32 v18, v4;
	v23 =	vmul.f32 v23, v5  }
0xc8: {  	s24 =	simm.s32 $0x82;
	v27 =	vmul.f32 v27, v9;
	v14 =	vadd.f32 v17, v15;
	v17 =	vld [tilespmem:s23+$0xFFFFFF90];
	v16 =	vadd.f32 v19, v13  }
0xc9: {  	v24 =	vld [tilespmem:s23+$0xFFFFFFA0];
	v18 =	vmov s22;
	v26 =	vmul.f32 v26, v8;
	v15 =	vmov s24  }
0xca: {  	v29 =	vld [tilespmem:s23+$0xFFFFFFB0];
	p2 =	por $0x1, $0x1;
	v19 =	vmul.f32 v25, v6;
	v25 =	vmul.f32 v21, v7;
	v30 =	vadd.f32 v14, v16  }
.Ltmp2:
0xcb: {  	v13 =	vand.u32 $0xFFFFFFFE, v15;
	v15 =	vld [tilespmem:s23+$0xFFFFFFC0];
	v21 =	vadd.f32 v23, v28;
	v22 =	vmul.f32 v22, v11;
	(pc) =	sbr.rel @!p2 .LBB2_6-.Ltmp2, $4  }
0xcc: {  	v16 =	vld [tilespmem:s23+$0xFFFFFFD0];
	v31 =	vmul.f32 v20, v10;
	v23 =	vadd.f32 v25, v19;
	v25 =	vadd.f32 v27, v26;
	v27, _, _ =	vpop (xrf2);
	(xrf2) =	vadd.scan.msk.f32 $0xffff, v30  }
0xcd: {  	v14 =	vmul.f32 v17, v5;
	v17 =	vld [tilespmem:s23+$0xFFFFFFE0]  }
0xce: {  	p1 =	por $0x1, $0x1;
	v19 =	vmul.f32 v24, v6;
	v20 =	vld [tilespmem:s23+$0xFFFFFFF0];
	v26 =	vadd.f32 v22, v31  }
0xcf: {  	s22 =	simm.s32 $0x83;
	s24 =	simm.s32 $0x83;
	v24 =	vmul.f32 v29, v7;
	v22 =	vld [tilespmem:s23+$0xFFFFFF80];
	s23 =	simm.s32 $0x5D00;
	v27 =	vbroadcast v27, $0xF  }
.LBB2_7:
0xd0: {  	v28 =	vld [tilespmem:s23+$0x0];
	v15 =	vmul.f32 v15, v8;
	v21 =	vadd.f32 v23, v21;
	v23 =	vadd.f32 v26, v25  }
0xd1: {  	v25 =	vld [tilespmem:s23+$0x10];
	v16 =	vmul.f32 v16, v9;
	v19 =	vadd.f32 v24, v19;
	v24 =	vbroadcast v13, $0x0;
	[tilespmem:v18+s17+$0x0] =	vst.idx.msk $0x1, v27  }
0xd2: {  	v18 =	vld [tilespmem:s23+$0x20];
	v13 =	vmul.f32 v17, v10;
	v17 =	vadd.f32 v23, v21  }
0xd3: {  	v21 =	vld [tilespmem:s23+$0x30];
	v20 =	vmul.f32 v20, v11;
	v15 =	vadd.f32 v16, v15  }
0xd4: {  	v16 =	vld [tilespmem:s23+$0x40];
	v23 =	vmul.f32 v22, v4;
	(xrf2) =	vadd.scan.msk.f32 $0xffff, v17  }
0xd5: {  	v17 =	vld [tilespmem:s23+$0x50];
	v13 =	vadd.f32 v20, v13  }
0xd6: {  	s24 =	sadd.s32 $0x2, s24;
	v20 =	vld [tilespmem:s23+$0x60];
	v14 =	vadd.f32 v14, v23;
	v22, _, _ =	vpop (xrf2)  }
0xd7: {  	s25 =	sadd.s32 $0xFFFFFFFF, s24;
	s26 =	sadd.s32 $0xFFFFFF7F, s24;
	v23 =	vld [tilespmem:s23+$0x70];
	v15 =	vadd.f32 v13, v15;
	v22 =	vbroadcast v22, $0xF  }
0xd8: {  	p2 =	slt.u32 s26, $0x7E;
	v13 =	vmov s25;
	v26 =	vld [tilespmem:s23+$0xFFFFFF90];
	v14 =	vadd.f32 v19, v14  }
0xd9: {  	v27 =	vmul.f32 v28, v4;
	v25 =	vmul.f32 v25, v5;
	v13 =	vand.u32 $0xFFFFFFFE, v13;
	v19 =	vld [tilespmem:s23+$0xFFFFFFA0];
	[tilespmem:v12+s17+$0x0] =	vst.idx.msk $0x1, v22  }
0xda: {  	v29 =	vmul.f32 v21, v7;
	v22 =	vmul.f32 v18, v6;
	v12 =	vmovc v24;
	v28 =	vld [tilespmem:s23+$0xFFFFFFB0];
	v14 =	vadd.f32 v15, v14  }
.Ltmp3:
0xdb: {  	v24 =	vmul.f32 v16, v8;
	v30 =	vmul.f32 v17, v9;
	v15 =	vld [tilespmem:s23+$0xFFFFFFC0];
	(pc) =	sbr.rel @p2 .LBB2_7-.Ltmp3, $4  }
0xdc: {  	v18 =	vmov s22;
	s22 =	smov.u32 s24;
	v31 =	vmul.f32 v20, v10;
	v16 =	vld [tilespmem:s23+$0xFFFFFFD0];
	v32 =	vmul.f32 v23, v11;
	(xrf2) =	vadd.scan.msk.f32 $0xffff, v14  }
0xdd: {  	v21 =	vadd.f32 v25, v27;
	v23 =	vadd.f32 v29, v22;
	v14 =	vmul.f32 v26, v5;
	v17 =	vld [tilespmem:s23+$0xFFFFFFE0]  }
0xde: {  	v25 =	vadd.f32 v30, v24;
	v19 =	vmul.f32 v19, v6;
	v20 =	vld [tilespmem:s23+$0xFFFFFFF0];
	v26 =	vadd.f32 v32, v31;
	v27, _, _ =	vpop (xrf2)  }
0xdf: {  	v22 =	vld [tilespmem:s23+$0xFFFFFF80];
	v24 =	vmul.f32 v28, v7;
	s23 =	sadd.s32 $0x100, s23;
	v27 =	vbroadcast v27, $0xF  }
.LBB2_8:
0xe0: {  	_ =	sdelay $0x1  }
0xe1: {  	v15 =	vmul.f32 v15, v8  }
0xe2: {  	v16 =	vmul.f32 v16, v9;
	v17 =	vmul.f32 v17, v10  }
0xe3: {  	v20 =	vmul.f32 v20, v11;
	v22 =	vmul.f32 v22, v4  }
0xe4: {  	v19 =	vadd.f32 v24, v19;
	v15 =	vadd.f32 v16, v15  }
0xe5: {  	v16 =	vadd.f32 v20, v17;
	v14 =	vadd.f32 v14, v22  }
0xe6: {  	v17 =	vadd.f32 v23, v21;
	v20 =	vadd.f32 v26, v25  }
0xe7: {  	v15 =	vadd.f32 v16, v15;
	v14 =	vadd.f32 v19, v14  }
0xe8: {  	v16 =	vadd.f32 v20, v17  }
0xe9: {  	v14 =	vadd.f32 v15, v14  }
0xea: {  	(xrf2) =	vadd.scan.msk.f32 $0xffff, v16  }
0xeb: {  	(xrf2) =	vadd.scan.msk.f32 $0xffff, v14;
	_ =	sdelay $0x6  }
0xec: {  	v13 =	vbroadcast v13, $0x0;
	v14 =	vmov s22  }
0xed: {  	v15, _, _ =	vpop @p1 (xrf2)  }
0xee: {  	v15 =	vbroadcast @p1 v15, $0xF;
	v16, _, _ =	vpop (xrf2)  }
0xef: {  	[tilespmem:v18+s17+$0x0] =	vst.idx.msk @p1 $0x1, v27;
	v16 =	vbroadcast v16, $0xF;
	v17, _, _ =	vpop (xrf2)  }
0xf0: {  	[tilespmem:v12+s17+$0x0] =	vst.idx.msk @p1 $0x1, v15;
	v12 =	vbroadcast v17, $0xF  }
0xf1: {  	[tilespmem:v14+s17+$0x0] =	vst.idx.msk $0x1, v16  }
0xf2: {  	[tilespmem:v13+s17+$0x0] =	vst.idx.msk $0x1, v12  }
0xf3: {  	_ =	swait.ge [sflag:s14], $0x4000  }
0xf4: {  	[sflag:s14] =	ssyncset.done $0x0  }
0xf5: {  	s23 =	simm.s32 $0x1B00;
	[sflag:s14] =	ssyncadd.s32 $0xFFFFC000  }
0xf6: {  	[tilespmem:s16], [sflag:$0x2] =	stream.indirect.gather [hbm4b:s1+s11], $0x80, s20, s11, $0xb8;
	[tilespmem:$0x9C80] =	vst v63  }
0xf7: {  	v12 =	vld [tilespmem:s23+$0x0]  }
0xf8: {  	v13 =	vld [tilespmem:s23+$0x10]  }
0xf9: {  	v14 =	vld [tilespmem:s23+$0x20]  }
0xfa: {  	v15 =	vld [tilespmem:s23+$0x30]  }
0xfb: {  	v16 =	vld [tilespmem:s23+$0x40]  }
0xfc: {  	v17 =	vld [tilespmem:s23+$0x50]  }
0xfd: {  	v18 =	vld [tilespmem:s23+$0x60]  }
0xfe: {  	v19 =	vld [tilespmem:s23+$0x70]  }
0xff: {  	v20 =	vld [tilespmem:s23+$0xFFFFFF90]  }
0x100: {  	v22 =	vld [tilespmem:s23+$0xFFFFFFA0]  }
0x101: {  	v24 =	vld [tilespmem:s23+$0xFFFFFFB0];
	v12 =	vmul.f32 v12, v4;
	v21 =	vmul.f32 v13, v5  }
0x102: {  	p1 =	por $0x1, $0x1;
	v23 =	vmul.f32 v14, v6;
	v25 =	vmul.f32 v15, v7  }
.Ltmp4:
0x103: {  	v15 =	vld [tilespmem:s23+$0xFFFFFFC0];
	v26 =	vmul.f32 v16, v8;
	v27 =	vmul.f32 v17, v9;
	(pc) =	sbr.rel @!p1 .LBB2_9-.Ltmp4, $4  }
0x104: {  	s31 =	simm.s32 $0x100;
	v16 =	vld [tilespmem:s23+$0xFFFFFFD0];
	v18 =	vmul.f32 v18, v10;
	v28 =	vmul.f32 v19, v11  }
0x105: {  	v13 =	vmov s31;
	v14 =	vmul.f32 v20, v5;
	v17 =	vld [tilespmem:s23+$0xFFFFFFE0];
	v19 =	vmul.f32 v22, v6  }
0x106: {  	v20 =	vld [tilespmem:s23+$0xFFFFFFF0];
	v24 =	vmul.f32 v24, v7;
	v21 =	vadd.f32 v21, v12;
	v23 =	vadd.f32 v25, v23  }
0x107: {  	s22 =	simm.s32 $0x101;
	v22 =	vld [tilespmem:s23+$0xFFFFFF80];
	s23 =	simm.s32 $0x1C00;
	v13 =	vand.u32 $0xFFFFFFFE, v13;
	v25 =	vadd.f32 v27, v26;
	v26 =	vadd.f32 v28, v18  }
0x108: {  	_ = 	snop  }
0x109: {  	v12 =	vadd.f32 v23, v21;
	v21 =	vadd.f32 v26, v25;
	_ =	sdelay $0x1  }
0x10a: {  	v18 =	vld [tilespmem:s23+$0x0];
	v12 =	vadd.f32 v21, v12  }
0x10b: {  	v23 =	vld [tilespmem:s23+$0x10]  }
0x10c: {  	v15 =	vmul.f32 v15, v8;
	v27 =	vld [tilespmem:s23+$0x50];
	v16 =	vmul.f32 v16, v9;
	(xrf2) =	vadd.scan.msk.f32 $0xffff, v12  }
0x10d: {  	v25 =	vld [tilespmem:s23+$0x20];
	v17 =	vmul.f32 v17, v10  }
0x10e: {  	v26 =	vld [tilespmem:s23+$0x40];
	v20 =	vmul.f32 v20, v11;
	v15 =	vadd.f32 v16, v15;
	v16 =	vmul.f32 v22, v4  }
0x10f: {  	v19 =	vadd.f32 v24, v19;
	v21 =	vld [tilespmem:s23+$0x30]  }
0x110: {  	v22 =	vld [tilespmem:s23+$0x70];
	v17 =	vadd.f32 v20, v17;
	v12 =	vbroadcast v13, $0x0;
	v13 =	vadd.f32 v14, v16  }
0x111: {  	v20 =	vld [tilespmem:s23+$0x60];
	v28 =	vmul.f32 v18, v4;
	v23 =	vmul.f32 v23, v5  }
0x112: {  	s24 =	simm.s32 $0x102;
	v27 =	vmul.f32 v27, v9;
	v14 =	vadd.f32 v17, v15;
	v17 =	vld [tilespmem:s23+$0xFFFFFF90];
	v16 =	vadd.f32 v19, v13  }
0x113: {  	v24 =	vld [tilespmem:s23+$0xFFFFFFA0];
	v18 =	vmov s22;
	v26 =	vmul.f32 v26, v8;
	v15 =	vmov s24  }
0x114: {  	v29 =	vld [tilespmem:s23+$0xFFFFFFB0];
	p1 =	por $0x1, $0x1;
	v19 =	vmul.f32 v25, v6;
	v25 =	vmul.f32 v21, v7;
	v30 =	vadd.f32 v14, v16  }
.Ltmp5:
0x115: {  	v13 =	vand.u32 $0xFFFFFFFE, v15;
	v15 =	vld [tilespmem:s23+$0xFFFFFFC0];
	v21 =	vadd.f32 v23, v28;
	v22 =	vmul.f32 v22, v11;
	(pc) =	sbr.rel @!p1 .LBB2_11-.Ltmp5, $4  }
0x116: {  	v16 =	vld [tilespmem:s23+$0xFFFFFFD0];
	v31 =	vmul.f32 v20, v10;
	v23 =	vadd.f32 v25, v19;
	v25 =	vadd.f32 v27, v26;
	v27, _, _ =	vpop (xrf2);
	(xrf2) =	vadd.scan.msk.f32 $0xffff, v30  }
0x117: {  	v14 =	vmul.f32 v17, v5;
	v17 =	vld [tilespmem:s23+$0xFFFFFFE0]  }
0x118: {  	p0 =	por $0x1, $0x1;
	v19 =	vmul.f32 v24, v6;
	v20 =	vld [tilespmem:s23+$0xFFFFFFF0];
	v26 =	vadd.f32 v22, v31  }
0x119: {  	s22 =	simm.s32 $0x103;
	s24 =	simm.s32 $0x103;
	v24 =	vmul.f32 v29, v7;
	v22 =	vld [tilespmem:s23+$0xFFFFFF80];
	s23 =	simm.s32 $0x1D00;
	v27 =	vbroadcast v27, $0xF  }
.LBB2_12:
0x11a: {  	v28 =	vld [tilespmem:s23+$0x0];
	v15 =	vmul.f32 v15, v8;
	v21 =	vadd.f32 v23, v21;
	v23 =	vadd.f32 v26, v25  }
0x11b: {  	v25 =	vld [tilespmem:s23+$0x10];
	v16 =	vmul.f32 v16, v9;
	v19 =	vadd.f32 v24, v19;
	v24 =	vbroadcast v13, $0x0;
	[tilespmem:v18+s17+$0x0] =	vst.idx.msk $0x1, v27  }
0x11c: {  	v18 =	vld [tilespmem:s23+$0x20];
	v13 =	vmul.f32 v17, v10;
	v17 =	vadd.f32 v23, v21  }
0x11d: {  	v21 =	vld [tilespmem:s23+$0x30];
	v20 =	vmul.f32 v20, v11;
	v15 =	vadd.f32 v16, v15  }
0x11e: {  	v16 =	vld [tilespmem:s23+$0x40];
	v23 =	vmul.f32 v22, v4;
	(xrf2) =	vadd.scan.msk.f32 $0xffff, v17  }
0x11f: {  	v17 =	vld [tilespmem:s23+$0x50];
	v13 =	vadd.f32 v20, v13  }
0x120: {  	s24 =	sadd.s32 $0x2, s24;
	v20 =	vld [tilespmem:s23+$0x60];
	v14 =	vadd.f32 v14, v23;
	v22, _, _ =	vpop (xrf2)  }
0x121: {  	s25 =	sadd.s32 $0xFFFFFFFF, s24;
	s26 =	sadd.s32 $0xFFFFFEFF, s24;
	v23 =	vld [tilespmem:s23+$0x70];
	v15 =	vadd.f32 v13, v15;
	v22 =	vbroadcast v22, $0xF  }
0x122: {  	p1 =	slt.u32 s26, $0x7E;
	v13 =	vmov s25;
	v26 =	vld [tilespmem:s23+$0xFFFFFF90];
	v14 =	vadd.f32 v19, v14  }
0x123: {  	v27 =	vmul.f32 v28, v4;
	v25 =	vmul.f32 v25, v5;
	v13 =	vand.u32 $0xFFFFFFFE, v13;
	v19 =	vld [tilespmem:s23+$0xFFFFFFA0];
	[tilespmem:v12+s17+$0x0] =	vst.idx.msk $0x1, v22  }
0x124: {  	v29 =	vmul.f32 v21, v7;
	v22 =	vmul.f32 v18, v6;
	v12 =	vmovc v24;
	v28 =	vld [tilespmem:s23+$0xFFFFFFB0];
	v14 =	vadd.f32 v15, v14  }
.Ltmp6:
0x125: {  	v24 =	vmul.f32 v16, v8;
	v30 =	vmul.f32 v17, v9;
	v15 =	vld [tilespmem:s23+$0xFFFFFFC0];
	(pc) =	sbr.rel @p1 .LBB2_12-.Ltmp6, $4  }
0x126: {  	v18 =	vmov s22;
	s22 =	smov.u32 s24;
	v31 =	vmul.f32 v20, v10;
	v16 =	vld [tilespmem:s23+$0xFFFFFFD0];
	v32 =	vmul.f32 v23, v11;
	(xrf2) =	vadd.scan.msk.f32 $0xffff, v14  }
0x127: {  	v21 =	vadd.f32 v25, v27;
	v23 =	vadd.f32 v29, v22;
	v14 =	vmul.f32 v26, v5;
	v17 =	vld [tilespmem:s23+$0xFFFFFFE0]  }
0x128: {  	v25 =	vadd.f32 v30, v24;
	v19 =	vmul.f32 v19, v6;
	v20 =	vld [tilespmem:s23+$0xFFFFFFF0];
	v26 =	vadd.f32 v32, v31;
	v27, _, _ =	vpop (xrf2)  }
0x129: {  	v22 =	vld [tilespmem:s23+$0xFFFFFF80];
	v24 =	vmul.f32 v28, v7;
	s23 =	sadd.s32 $0x100, s23;
	v27 =	vbroadcast v27, $0xF  }
.LBB2_13:
0x12a: {  	_ =	sdelay $0x1  }
0x12b: {  	v15 =	vmul.f32 v15, v8  }
0x12c: {  	v16 =	vmul.f32 v16, v9;
	v17 =	vmul.f32 v17, v10  }
0x12d: {  	v20 =	vmul.f32 v20, v11;
	v22 =	vmul.f32 v22, v4  }
0x12e: {  	v19 =	vadd.f32 v24, v19;
	v15 =	vadd.f32 v16, v15  }
0x12f: {  	v16 =	vadd.f32 v20, v17;
	v14 =	vadd.f32 v14, v22  }
0x130: {  	v17 =	vadd.f32 v23, v21;
	v20 =	vadd.f32 v26, v25  }
0x131: {  	v15 =	vadd.f32 v16, v15;
	v14 =	vadd.f32 v19, v14  }
0x132: {  	v16 =	vadd.f32 v20, v17  }
0x133: {  	v14 =	vadd.f32 v15, v14  }
0x134: {  	(xrf2) =	vadd.scan.msk.f32 $0xffff, v16  }
0x135: {  	(xrf2) =	vadd.scan.msk.f32 $0xffff, v14;
	_ =	sdelay $0x6  }
0x136: {  	v13 =	vbroadcast v13, $0x0;
	v14 =	vmov s22  }
0x137: {  	v15, _, _ =	vpop @p0 (xrf2)  }
0x138: {  	v15 =	vbroadcast @p0 v15, $0xF;
	v16, _, _ =	vpop (xrf2)  }
0x139: {  	[tilespmem:v18+s17+$0x0] =	vst.idx.msk @p0 $0x1, v27;
	v16 =	vbroadcast v16, $0xF;
	v17, _, _ =	vpop (xrf2)  }
0x13a: {  	[tilespmem:v12+s17+$0x0] =	vst.idx.msk @p0 $0x1, v15;
	v12 =	vbroadcast v17, $0xF  }
0x13b: {  	[tilespmem:v14+s17+$0x0] =	vst.idx.msk $0x1, v16  }
0x13c: {  	[tilespmem:v13+s17+$0x0] =	vst.idx.msk $0x1, v12  }
0x13d: {  	_ =	swait.ge [sflag:s18], $0x4000  }
0x13e: {  	[sflag:s18] =	ssyncset.done $0x0  }
0x13f: {  	s23 =	simm.s32 $0x5B00;
	[sflag:s18] =	ssyncadd.s32 $0xFFFFC000  }
0x140: {  	v12 =	vld [tilespmem:s23+$0x0]  }
0x141: {  	v13 =	vld [tilespmem:s23+$0x10]  }
0x142: {  	v14 =	vld [tilespmem:s23+$0x20]  }
0x143: {  	v15 =	vld [tilespmem:s23+$0x30]  }
0x144: {  	v16 =	vld [tilespmem:s23+$0x40]  }
0x145: {  	v17 =	vld [tilespmem:s23+$0x50]  }
0x146: {  	v18 =	vld [tilespmem:s23+$0x60]  }
0x147: {  	v19 =	vld [tilespmem:s23+$0x70]  }
0x148: {  	v20 =	vld [tilespmem:s23+$0xFFFFFF90]  }
0x149: {  	v22 =	vld [tilespmem:s23+$0xFFFFFFA0]  }
0x14a: {  	v24 =	vld [tilespmem:s23+$0xFFFFFFB0];
	v12 =	vmul.f32 v12, v4;
	v21 =	vmul.f32 v13, v5  }
0x14b: {  	p1 =	por $0x1, $0x1;
	v23 =	vmul.f32 v14, v6;
	v25 =	vmul.f32 v15, v7  }
.Ltmp7:
0x14c: {  	v15 =	vld [tilespmem:s23+$0xFFFFFFC0];
	v26 =	vmul.f32 v16, v8;
	v27 =	vmul.f32 v17, v9;
	(pc) =	sbr.rel @!p1 .LBB2_14-.Ltmp7, $4  }
0x14d: {  	s31 =	simm.s32 $0x180;
	v16 =	vld [tilespmem:s23+$0xFFFFFFD0];
	v18 =	vmul.f32 v18, v10;
	v28 =	vmul.f32 v19, v11  }
0x14e: {  	v13 =	vmov s31;
	v14 =	vmul.f32 v20, v5;
	v17 =	vld [tilespmem:s23+$0xFFFFFFE0];
	v19 =	vmul.f32 v22, v6  }
0x14f: {  	v20 =	vld [tilespmem:s23+$0xFFFFFFF0];
	v24 =	vmul.f32 v24, v7;
	v21 =	vadd.f32 v21, v12;
	v23 =	vadd.f32 v25, v23  }
0x150: {  	s22 =	simm.s32 $0x181;
	p0 =	por $0x0, $0x0;
	v22 =	vld [tilespmem:s23+$0xFFFFFF80];
	s23 =	simm.s32 $0x5C00;
	v13 =	vand.u32 $0xFFFFFFFE, v13;
	v25 =	vadd.f32 v27, v26;
	v26 =	vadd.f32 v28, v18  }
0x151: {  	_ = 	snop  }
0x152: {  	v12 =	vadd.f32 v23, v21;
	v21 =	vadd.f32 v26, v25;
	_ =	sdelay $0x1  }
0x153: {  	v18 =	vld [tilespmem:s23+$0x0];
	v12 =	vadd.f32 v21, v12  }
0x154: {  	v23 =	vld [tilespmem:s23+$0x10]  }
0x155: {  	v15 =	vmul.f32 v15, v8;
	v27 =	vld [tilespmem:s23+$0x50];
	v16 =	vmul.f32 v16, v9;
	(xrf2) =	vadd.scan.msk.f32 $0xffff, v12  }
0x156: {  	v25 =	vld [tilespmem:s23+$0x20];
	v17 =	vmul.f32 v17, v10  }
0x157: {  	v26 =	vld [tilespmem:s23+$0x40];
	v20 =	vmul.f32 v20, v11;
	v15 =	vadd.f32 v16, v15;
	v16 =	vmul.f32 v22, v4  }
0x158: {  	v19 =	vadd.f32 v24, v19;
	v21 =	vld [tilespmem:s23+$0x30]  }
0x159: {  	v22 =	vld [tilespmem:s23+$0x70];
	v17 =	vadd.f32 v20, v17;
	v12 =	vbroadcast v13, $0x0;
	v13 =	vadd.f32 v14, v16  }
0x15a: {  	v20 =	vld [tilespmem:s23+$0x60];
	v28 =	vmul.f32 v18, v4;
	v23 =	vmul.f32 v23, v5  }
0x15b: {  	s24 =	simm.s32 $0x182;
	v27 =	vmul.f32 v27, v9;
	v14 =	vadd.f32 v17, v15;
	v17 =	vld [tilespmem:s23+$0xFFFFFF90];
	v16 =	vadd.f32 v19, v13  }
0x15c: {  	v24 =	vld [tilespmem:s23+$0xFFFFFFA0];
	v18 =	vmov s22;
	v26 =	vmul.f32 v26, v8;
	v15 =	vmov s24  }
0x15d: {  	v29 =	vld [tilespmem:s23+$0xFFFFFFB0];
	p1 =	por $0x1, $0x1;
	v19 =	vmul.f32 v25, v6;
	v25 =	vmul.f32 v21, v7;
	v30 =	vadd.f32 v14, v16  }
.Ltmp8:
0x15e: {  	v13 =	vand.u32 $0xFFFFFFFE, v15;
	v15 =	vld [tilespmem:s23+$0xFFFFFFC0];
	v21 =	vadd.f32 v23, v28;
	v22 =	vmul.f32 v22, v11;
	(pc) =	sbr.rel @!p1 .LBB2_16-.Ltmp8, $4  }
0x15f: {  	v16 =	vld [tilespmem:s23+$0xFFFFFFD0];
	v31 =	vmul.f32 v20, v10;
	v23 =	vadd.f32 v25, v19;
	v25 =	vadd.f32 v27, v26;
	v27, _, _ =	vpop (xrf2);
	(xrf2) =	vadd.scan.msk.f32 $0xffff, v30  }
0x160: {  	v14 =	vmul.f32 v17, v5;
	v17 =	vld [tilespmem:s23+$0xFFFFFFE0]  }
0x161: {  	p0 =	por $0x1, $0x1;
	v19 =	vmul.f32 v24, v6;
	v20 =	vld [tilespmem:s23+$0xFFFFFFF0];
	v26 =	vadd.f32 v22, v31  }
0x162: {  	s22 =	simm.s32 $0x183;
	s24 =	simm.s32 $0x183;
	v24 =	vmul.f32 v29, v7;
	v22 =	vld [tilespmem:s23+$0xFFFFFF80];
	s23 =	simm.s32 $0x5D00;
	v27 =	vbroadcast v27, $0xF  }
.LBB2_17:
0x163: {  	v28 =	vld [tilespmem:s23+$0x0];
	v15 =	vmul.f32 v15, v8;
	v21 =	vadd.f32 v23, v21;
	v23 =	vadd.f32 v26, v25  }
0x164: {  	v25 =	vld [tilespmem:s23+$0x10];
	v16 =	vmul.f32 v16, v9;
	v19 =	vadd.f32 v24, v19;
	v24 =	vbroadcast v13, $0x0;
	[tilespmem:v18+s17+$0x0] =	vst.idx.msk $0x1, v27  }
0x165: {  	v18 =	vld [tilespmem:s23+$0x20];
	v13 =	vmul.f32 v17, v10;
	v17 =	vadd.f32 v23, v21  }
0x166: {  	v21 =	vld [tilespmem:s23+$0x30];
	v20 =	vmul.f32 v20, v11;
	v15 =	vadd.f32 v16, v15  }
0x167: {  	v16 =	vld [tilespmem:s23+$0x40];
	v23 =	vmul.f32 v22, v4;
	(xrf2) =	vadd.scan.msk.f32 $0xffff, v17  }
0x168: {  	v17 =	vld [tilespmem:s23+$0x50];
	v13 =	vadd.f32 v20, v13  }
0x169: {  	s24 =	sadd.s32 $0x2, s24;
	v20 =	vld [tilespmem:s23+$0x60];
	v14 =	vadd.f32 v14, v23;
	v22, _, _ =	vpop (xrf2)  }
0x16a: {  	s25 =	sadd.s32 $0xFFFFFFFF, s24;
	s26 =	sadd.s32 $0xFFFFFE7F, s24;
	v23 =	vld [tilespmem:s23+$0x70];
	v15 =	vadd.f32 v13, v15;
	v22 =	vbroadcast v22, $0xF  }
0x16b: {  	p1 =	slt.u32 s26, $0x7E;
	v13 =	vmov s25;
	v26 =	vld [tilespmem:s23+$0xFFFFFF90];
	v14 =	vadd.f32 v19, v14  }
0x16c: {  	v27 =	vmul.f32 v28, v4;
	v25 =	vmul.f32 v25, v5;
	v13 =	vand.u32 $0xFFFFFFFE, v13;
	v19 =	vld [tilespmem:s23+$0xFFFFFFA0];
	[tilespmem:v12+s17+$0x0] =	vst.idx.msk $0x1, v22  }
0x16d: {  	v29 =	vmul.f32 v21, v7;
	v22 =	vmul.f32 v18, v6;
	v12 =	vmovc v24;
	v28 =	vld [tilespmem:s23+$0xFFFFFFB0];
	v14 =	vadd.f32 v15, v14  }
.Ltmp9:
0x16e: {  	v24 =	vmul.f32 v16, v8;
	v30 =	vmul.f32 v17, v9;
	v15 =	vld [tilespmem:s23+$0xFFFFFFC0];
	(pc) =	sbr.rel @p1 .LBB2_17-.Ltmp9, $4  }
0x16f: {  	v18 =	vmov s22;
	s22 =	smov.u32 s24;
	v31 =	vmul.f32 v20, v10;
	v16 =	vld [tilespmem:s23+$0xFFFFFFD0];
	v32 =	vmul.f32 v23, v11;
	(xrf2) =	vadd.scan.msk.f32 $0xffff, v14  }
0x170: {  	v21 =	vadd.f32 v25, v27;
	v23 =	vadd.f32 v29, v22;
	v14 =	vmul.f32 v26, v5;
	v17 =	vld [tilespmem:s23+$0xFFFFFFE0]  }
0x171: {  	v25 =	vadd.f32 v30, v24;
	v19 =	vmul.f32 v19, v6;
	v20 =	vld [tilespmem:s23+$0xFFFFFFF0];
	v26 =	vadd.f32 v32, v31;
	v27, _, _ =	vpop (xrf2)  }
0x172: {  	v22 =	vld [tilespmem:s23+$0xFFFFFF80];
	v24 =	vmul.f32 v28, v7;
	s23 =	sadd.s32 $0x100, s23;
	v27 =	vbroadcast v27, $0xF  }
.LBB2_18:
0x173: {  	_ =	sdelay $0x1  }
0x174: {  	v5 =	vmul.f32 v15, v8  }
0x175: {  	v6 =	vmul.f32 v16, v9;
	v7 =	vmul.f32 v17, v10  }
0x176: {  	v55 =	vmul.f32 v20, v11;
	v4 =	vmul.f32 v22, v4  }
0x177: {  	v56 =	vadd.f32 v24, v19;
	v5 =	vadd.f32 v6, v5  }
0x178: {  	v57 =	vadd.f32 v55, v7;
	v4 =	vadd.f32 v14, v4  }
0x179: {  	v58 =	vadd.f32 v23, v21;
	v59 =	vadd.f32 v26, v25  }
0x17a: {  	v5 =	vadd.f32 v57, v5;
	v4 =	vadd.f32 v56, v4  }
0x17b: {  	v60 =	vadd.f32 v59, v58  }
0x17c: {  	v4 =	vadd.f32 v5, v4  }
0x17d: {  	(xrf2) =	vadd.scan.msk.f32 $0xffff, v60  }
0x17e: {  	(xrf2) =	vadd.scan.msk.f32 $0xffff, v4;
	_ =	sdelay $0x6  }
0x17f: {  	v5 =	vmov s22;
	v4 =	vbroadcast v13, $0x0  }
0x180: {  	v6, _, _ =	vpop @p0 (xrf2)  }
0x181: {  	v6 =	vbroadcast @p0 v6, $0xF;
	v61, _, _ =	vpop (xrf2)  }
0x182: {  	[tilespmem:v18+s17+$0x0] =	vst.idx.msk @p0 $0x1, v27;
	v7 =	vbroadcast v61, $0xF;
	v62, _, _ =	vpop (xrf2)  }
0x183: {  	[tilespmem:v12+s17+$0x0] =	vst.idx.msk @p0 $0x1, v6;
	v63 =	vbroadcast v62, $0xF  }
0x184: {  	s21 =	sadd.s32 $0x1, s21;
	[tilespmem:v5+s17+$0x0] =	vst.idx.msk $0x1, v7  }
0x185: {  	p0 =	sne.s32 s21, s8;
	[tilespmem:v4+s17+$0x0] =	vst.idx.msk $0x1, v63  }
0x186: {  	[hbm4b:s7+s4] =	stream.linear.scatter [tilespmem:s17], [sflag:$0x3], $0x200, $0x38;
	[tilespmem:$0x9C80] =	vst v63  }
.Ltmp10:
0x187: {  	_ = 	snop;
	(pc) =	sbr.rel @p0 .LBB2_1-.Ltmp10, $4  }
.Ltmp11:
0x188: {  	_ = 	snop;
	(pc) =	sbr.rel @!p0 .LBB2_19-.Ltmp11, $4  }
0x189: {  	_ =	swait.ge [sflag:s10], $0x200  }
0x18a: {  	[sflag:s10] =	ssyncset.done $0x0  }
0x18b: {  	[sflag:s10] =	ssyncadd.s32 $0xFFFFFE00  }
0x18c: {  	_ = 	snop  }
.LBB2_4:
.Ltmp12:
0x18d: {  	(pc) =	sbr.rel .LBB2_8-.Ltmp12, $2  }
0x18e: {  	_ =	sdelay $0x2  }
0x18f: {  	p1 =	por $0x0, $0x0  }
.LBB2_9:
.Ltmp13:
0x190: {  	(pc) =	sbr.rel .LBB2_13-.Ltmp13, $2  }
0x191: {  	_ =	sdelay $0x2  }
0x192: {  	_ = 	snop  }
.LBB2_14:
.Ltmp14:
0x193: {  	(pc) =	sbr.rel .LBB2_18-.Ltmp14, $2  }
0x194: {  	_ =	sdelay $0x2  }
0x195: {  	_ = 	snop  }
.LBB2_6:
.Ltmp15:
0x196: {  	(pc) =	sbr.rel .LBB2_8-.Ltmp15, $2  }
0x197: {  	_ =	sdelay $0x2  }
0x198: {  	s22 =	simm.s32 $0x83  }
.LBB2_11:
.Ltmp16:
0x199: {  	(pc) =	sbr.rel .LBB2_13-.Ltmp16, $2  }
0x19a: {  	_ =	sdelay $0x2  }
0x19b: {  	s22 =	simm.s32 $0x103  }
.LBB2_16:
.Ltmp17:
0x19c: {  	(pc) =	sbr.rel .LBB2_18-.Ltmp17, $2  }
0x19d: {  	_ =	sdelay $0x2  }
0x19e: {  	s22 =	simm.s32 $0x183  }
.LBB2_19:
0x19f: {  	_ =	sfence.sel $0x180000  }
0x1a0: {  	[bflag:$0x0] =	sbarrier.arrive $0xFFFF  }
0x1a1: {  	p0 =	sne.s32 s5, $0x0;
	_ =	strace $0x90000047  }
0x1a2: {  	s0 =	sadd.s32 @!p0 $0x100000, s0;
	[bflag:$0x2] =	sbarrier.arrive $0xFFFF  }
0x1a3: {  	[sflag:s0] =	ssyncadd.tile.s32 @!p0 $0x1;
	_ =	shalt  }
.Lfunc_end2:
_tile_overlayer_lowered:
.L_overlay_start_2:
0x1a4: {  	(tag) =	ssettag $0x2  }
0x1a5: {  	s0 =	rddreg [dreg:$0x0];
	s2 =	stileid.u32  }
0x1a6: {  	s1 =	rddreg [dreg:$0x1];
	p0 =	sne.s32 s2, $0x0  }
0x1a7: {  	s3 =	rddreg [dreg:$0x2];
	[bflag:$0x3] =	sbarrier.arrive $0xFFFF;
	s2 =	simm.s32 @!p0 $0x1C03  }
0x1a8: {  	[timem:s3], [sflag:s2] =	dma.local @!p0 [hbm:s0], s1  }
0x1a9: {  	s0 =	simm.s32 @!p0 $0x3  }
0x1aa: {  	_ =	swait.ge @!p0 [sflag:s0], s1  }
0x1ab: {  	s1 =	ssub.s32 @!p0 $0x0, s1;
	[sflag:s0] =	ssyncset.done @!p0 $0x0  }
0x1ac: {  	[sflag:s0] =	ssyncadd.s32 @!p0 s1  }
0x1ad: {  	[bflag:$0x3] =	sbarrier.arrive $0xFFFF  }
0x1ae: {  	_ =	shalt  }

</sc_bundles>
